<compile_context>
chip_gen: v7x
topology: tpu7x:2x2x1
jax: 0.10.2.dev20260603
libtpu: 0.0.44.dev20260713+nightly
codegen_flags: <defaults>
</compile_context>

<pallas_src>
import functools

import jax
import jax.numpy as jnp
from jax import lax
from jax.experimental import pallas as pl
from jax.experimental.pallas import tpu as pltpu
from jax.experimental.pallas import tpu_sc as plsc

_NC = 2
_NS = 16
_NW = _NC * _NS

_NB = 6


def _make_gather(S, V, Dm, B):
    b_per_w = B // _NW
    nb = min(_NB, S)
    mesh = plsc.VectorSubcoreMesh(core_axis_name="c", subcore_axis_name="s")

    scratch = [pltpu.VMEM((b_per_w,), jnp.int32)]
    scratch += [pltpu.VMEM((b_per_w, Dm), jnp.float32) for _ in range(nb)]
    scratch += [pltpu.SemaphoreType.DMA] * (2 * nb)

    @functools.partial(
        pl.kernel,
        mesh=mesh,
        out_type=jax.ShapeDtypeStruct((S, B, Dm), jnp.float32),
        scratch_types=scratch,
    )
    def gather_kernel(table_hbm, idx_hbm, out_hbm, idx_v, *bufs_and_sems):
        bufs = bufs_and_sems[:nb]
        gsem = bufs_and_sems[nb : 2 * nb]
        ssem = bufs_and_sems[2 * nb :]

        wid = lax.axis_index("s") * _NC + lax.axis_index("c")
        base = wid * b_per_w
        pltpu.sync_copy(idx_hbm.at[pl.ds(base, b_per_w)], idx_v)

        def start_gather(j):
            return pltpu.async_copy(
                table_hbm.at[j].at[idx_v], bufs[j % nb], gsem[j % nb]
            )

        def start_scatter(j):
            return pltpu.async_copy(
                bufs[j % nb], out_hbm.at[j].at[pl.ds(base, b_per_w)], ssem[j % nb]
            )

        gd = [None] * S
        sd = [None] * S
        for j in range(nb):
            gd[j] = start_gather(j)
        for j in range(S):
            if j >= 1 and j - 1 + nb < S:
                sd[j - 1].wait()
                gd[j - 1 + nb] = start_gather(j - 1 + nb)
            gd[j].wait()
            sd[j] = start_scatter(j)
        for j in range(max(0, S - nb), S):
            if sd[j] is not None:
                sd[j].wait()

    return gather_kernel


def kernel(indexs, entity_prompts):
    B = indexs.shape[0]
    V, S, Dm = entity_prompts.shape
    table_t = jnp.transpose(entity_prompts, (1, 0, 2))
    out_t = _make_gather(S, V, Dm, B)(table_t, indexs.astype(jnp.int32))
    return jnp.transpose(out_t, (1, 0, 2))

# --- scband reference (transcript-rebuilt; emitter-appended) ---
"""Pipeline reference for scband-prompt-learner-64158221467877 (READ-ONLY COPY).

The authoritative reference and input builder live on the scoring server;
editing this copy changes nothing except your own understanding.
"""

import jax, jax.numpy as jnp
import numpy as np

N_CTX = 12
TEXT_PROMPT = 1
CTX_DIM = 128
VOCAB = 100000
BATCH = 4096


def setup_inputs(seed: int = 0) -> dict:
    key = jax.random.key(seed)
    k1, k2 = jax.random.split(key)
    indexs = jax.random.randint(k1, (BATCH,), 0, VOCAB, dtype=jnp.int64 if jax.config.jax_enable_x64 else jnp.int32)
    entity_prompts = jax.random.normal(k2, (VOCAB, N_CTX * TEXT_PROMPT, CTX_DIM), dtype=jnp.float32)
    return {"indexs": indexs, "entity_prompts": entity_prompts}


def reference(indexs, entity_prompts):
    # Faithful translation of PromptLearner.forward:
    #   ctx = self.entity_prompts[indexs].view(batch, n_ctx * text_prompt, ctx_dim)
    batch = indexs.shape[0]
    ctx = jnp.take(entity_prompts, indexs, axis=0)
    prompt = ctx.reshape(batch, N_CTX * TEXT_PROMPT, CTX_DIM)
    return prompt

if __name__ == "__main__":
    import jax
    _d = setup_inputs()
    print(jax.jit(kernel)(*tuple(_d.values())))

</pallas_src>

<mosaic_0001>
#map = affine_map<(d0, d1) -> (0, 0, 0)>
#map1 = affine_map<(d0, d1) -> (0)>
module attributes {stable_mosaic.version = 14 : i64} {
  func.func @gather_kernel(%arg0: i32, %arg1: i32, %arg2: memref<12x100000x128xf32, #tpu.memory_space<hbm>>, %arg3: memref<4096xi32, #tpu.memory_space<hbm>>, %arg4: memref<12x4096x128xf32, #tpu.memory_space<hbm>>, %arg5: memref<128xi32, #tpu.memory_space<vmem>>, %arg6: memref<128x128xf32, #tpu.memory_space<vmem>>, %arg7: memref<128x128xf32, #tpu.memory_space<vmem>>, %arg8: memref<128x128xf32, #tpu.memory_space<vmem>>, %arg9: memref<128x128xf32, #tpu.memory_space<vmem>>, %arg10: memref<128x128xf32, #tpu.memory_space<vmem>>, %arg11: memref<128x128xf32, #tpu.memory_space<vmem>>, %arg12: memref<!tpu.dma_semaphore, #tpu.memory_space<semaphore_mem>>, %arg13: memref<!tpu.dma_semaphore, #tpu.memory_space<semaphore_mem>>, %arg14: memref<!tpu.dma_semaphore, #tpu.memory_space<semaphore_mem>>, %arg15: memref<!tpu.dma_semaphore, #tpu.memory_space<semaphore_mem>>, %arg16: memref<!tpu.dma_semaphore, #tpu.memory_space<semaphore_mem>>, %arg17: memref<!tpu.dma_semaphore, #tpu.memory_space<semaphore_mem>>, %arg18: memref<!tpu.dma_semaphore, #tpu.memory_space<semaphore_mem>>, %arg19: memref<!tpu.dma_semaphore, #tpu.memory_space<semaphore_mem>>, %arg20: memref<!tpu.dma_semaphore, #tpu.memory_space<semaphore_mem>>, %arg21: memref<!tpu.dma_semaphore, #tpu.memory_space<semaphore_mem>>, %arg22: memref<!tpu.dma_semaphore, #tpu.memory_space<semaphore_mem>>, %arg23: memref<!tpu.dma_semaphore, #tpu.memory_space<semaphore_mem>>) attributes {dimension_semantics = [#tpu.dimension_semantics<core_parallel>, #tpu.dimension_semantics<subcore_parallel>], iteration_bounds = array<i64: 2, 16>, scalar_prefetch = 0 : i64, scratch_operands = 19 : i64, tpu.core_type = #tpu.core_type<sc_vector_subcore>, window_params = [{transform_indices = #map}, {transform_indices = #map1}, {transform_indices = #map}]} {
    %mul3A = arith.constant 2 : i32
    %mul3A_0 = arith.muli %arg1, %mul3A : i32
    %add3A = arith.addi %mul3A_0, %arg0 : i32
    %mul3A_1 = arith.constant 128 : i32
    %mul3A_2 = arith.muli %add3A, %mul3A_1 : i32
    "tpu.region"() ({
      %run_scoped3A = tpu.sem_alloc : memref<!tpu.dma_semaphore, #tpu.memory_space<semaphore_mem>>
      %dma_start3A_505 = tpu.memref_slice %arg3[%mul3A_2] : memref<4096xi32, #tpu.memory_space<hbm>> -> memref<128xi32, #tpu.memory_space<hbm>>
      %dma_start3A_506 = tpu.memref_slice %arg3[%mul3A_2] : memref<4096xi32, #tpu.memory_space<hbm>> -> memref<128xi32, #tpu.memory_space<hbm>>
      tpu.enqueue_dma source(%dma_start3A_506 : memref<128xi32, #tpu.memory_space<hbm>>) target(%arg5 : memref<128xi32, #tpu.memory_space<vmem>>) target_semaphore(%run_scoped3A : memref<!tpu.dma_semaphore, #tpu.memory_space<semaphore_mem>>)
      %dma_wait3A_507 = tpu.memref_slice %arg3[%mul3A_2] : memref<4096xi32, #tpu.memory_space<hbm>> -> memref<128xi32, #tpu.memory_space<hbm>>
      %dma_wait3A_508 = tpu.memref_slice %arg3[%mul3A_2] : memref<4096xi32, #tpu.memory_space<hbm>> -> memref<128xi32, #tpu.memory_space<hbm>>
      tpu.wait_dma2 semaphore(%run_scoped3A : memref<!tpu.dma_semaphore, #tpu.memory_space<semaphore_mem>>) src(%dma_wait3A_508 : memref<128xi32, #tpu.memory_space<hbm>>) dst(%arg5 : memref<128xi32, #tpu.memory_space<vmem>>)
      tpu.yield
    }) : () -> ()
    %dma_start3A = arith.constant 0 : i32
    %dma_start3A_3 = arith.constant 0 : i32
    %dma_start3A_4 = arith.constant 0 : i32
    %dma_start3A_5 = tpu.memref_slice %arg2[%dma_start3A, %dma_start3A_3, %dma_start3A_4] : memref<12x100000x128xf32, #tpu.memory_space<hbm>> -> memref<1x100000x128xf32, #tpu.memory_space<hbm>>
    %dma_start3A_6 = tpu.memref_squeeze %dma_start3A_5 : memref<1x100000x128xf32, #tpu.memory_space<hbm>> -> memref<100000x128xf32, #tpu.memory_space<hbm>>
    %dma_start3A_7 = arith.constant 0 : i32
    %dma_start3A_8 = arith.constant 0 : i32
    %dma_start3A_9 = tpu.memref_slice %dma_start3A_6[%dma_start3A_7, %dma_start3A_8] : memref<100000x128xf32, #tpu.memory_space<hbm>> -> memref<100000x128xf32, #tpu.memory_space<hbm>>
    tpu.enqueue_indirect_dma source(%dma_start3A_9 : memref<100000x128xf32, #tpu.memory_space<hbm>>) target(%arg6 : memref<128x128xf32, #tpu.memory_space<vmem>>) offsets(%arg5 : memref<128xi32, #tpu.memory_space<vmem>>) semaphore(%arg12 : memref<!tpu.dma_semaphore, #tpu.memory_space<semaphore_mem>>)
    %dma_start3A_10 = arith.constant 1 : i32
    %dma_start3A_11 = arith.constant 0 : i32
    %dma_start3A_12 = arith.constant 0 : i32
    %dma_start3A_13 = tpu.memref_slice %arg2[%dma_start3A_10, %dma_start3A_11, %dma_start3A_12] : memref<12x100000x128xf32, #tpu.memory_space<hbm>> -> memref<1x100000x128xf32, #tpu.memory_space<hbm>>
    %dma_start3A_14 = tpu.memref_squeeze %dma_start3A_13 : memref<1x100000x128xf32, #tpu.memory_space<hbm>> -> memref<100000x128xf32, #tpu.memory_space<hbm>>
    %dma_start3A_15 = arith.constant 0 : i32
    %dma_start3A_16 = arith.constant 0 : i32
    %dma_start3A_17 = tpu.memref_slice %dma_start3A_14[%dma_start3A_15, %dma_start3A_16] : memref<100000x128xf32, #tpu.memory_space<hbm>> -> memref<100000x128xf32, #tpu.memory_space<hbm>>
    tpu.enqueue_indirect_dma source(%dma_start3A_17 : memref<100000x128xf32, #tpu.memory_space<hbm>>) target(%arg7 : memref<128x128xf32, #tpu.memory_space<vmem>>) offsets(%arg5 : memref<128xi32, #tpu.memory_space<vmem>>) semaphore(%arg13 : memref<!tpu.dma_semaphore, #tpu.memory_space<semaphore_mem>>)
    %dma_start3A_18 = arith.constant 2 : i32
    %dma_start3A_19 = arith.constant 0 : i32
    %dma_start3A_20 = arith.constant 0 : i32
    %dma_start3A_21 = tpu.memref_slice %arg2[%dma_start3A_18, %dma_start3A_19, %dma_start3A_20] : memref<12x100000x128xf32, #tpu.memory_space<hbm>> -> memref<1x100000x128xf32, #tpu.memory_space<hbm>>
    %dma_start3A_22 = tpu.memref_squeeze %dma_start3A_21 : memref<1x100000x128xf32, #tpu.memory_space<hbm>> -> memref<100000x128xf32, #tpu.memory_space<hbm>>
    %dma_start3A_23 = arith.constant 0 : i32
    %dma_start3A_24 = arith.constant 0 : i32
    %dma_start3A_25 = tpu.memref_slice %dma_start3A_22[%dma_start3A_23, %dma_start3A_24] : memref<100000x128xf32, #tpu.memory_space<hbm>> -> memref<100000x128xf32, #tpu.memory_space<hbm>>
    tpu.enqueue_indirect_dma source(%dma_start3A_25 : memref<100000x128xf32, #tpu.memory_space<hbm>>) target(%arg8 : memref<128x128xf32, #tpu.memory_space<vmem>>) offsets(%arg5 : memref<128xi32, #tpu.memory_space<vmem>>) semaphore(%arg14 : memref<!tpu.dma_semaphore, #tpu.memory_space<semaphore_mem>>)
    %dma_start3A_26 = arith.constant 3 : i32
    %dma_start3A_27 = arith.constant 0 : i32
    %dma_start3A_28 = arith.constant 0 : i32
    %dma_start3A_29 = tpu.memref_slice %arg2[%dma_start3A_26, %dma_start3A_27, %dma_start3A_28] : memref<12x100000x128xf32, #tpu.memory_space<hbm>> -> memref<1x100000x128xf32, #tpu.memory_space<hbm>>
    %dma_start3A_30 = tpu.memref_squeeze %dma_start3A_29 : memref<1x100000x128xf32, #tpu.memory_space<hbm>> -> memref<100000x128xf32, #tpu.memory_space<hbm>>
    %dma_start3A_31 = arith.constant 0 : i32
    %dma_start3A_32 = arith.constant 0 : i32
    %dma_start3A_33 = tpu.memref_slice %dma_start3A_30[%dma_start3A_31, %dma_start3A_32] : memref<100000x128xf32, #tpu.memory_space<hbm>> -> memref<100000x128xf32, #tpu.memory_space<hbm>>
    tpu.enqueue_indirect_dma source(%dma_start3A_33 : memref<100000x128xf32, #tpu.memory_space<hbm>>) target(%arg9 : memref<128x128xf32, #tpu.memory_space<vmem>>) offsets(%arg5 : memref<128xi32, #tpu.memory_space<vmem>>) semaphore(%arg15 : memref<!tpu.dma_semaphore, #tpu.memory_space<semaphore_mem>>)
    %dma_start3A_34 = arith.constant 4 : i32
    %dma_start3A_35 = arith.constant 0 : i32
    %dma_start3A_36 = arith.constant 0 : i32
    %dma_start3A_37 = tpu.memref_slice %arg2[%dma_start3A_34, %dma_start3A_35, %dma_start3A_36] : memref<12x100000x128xf32, #tpu.memory_space<hbm>> -> memref<1x100000x128xf32, #tpu.memory_space<hbm>>
    %dma_start3A_38 = tpu.memref_squeeze %dma_start3A_37 : memref<1x100000x128xf32, #tpu.memory_space<hbm>> -> memref<100000x128xf32, #tpu.memory_space<hbm>>
    %dma_start3A_39 = arith.constant 0 : i32
    %dma_start3A_40 = arith.constant 0 : i32
    %dma_start3A_41 = tpu.memref_slice %dma_start3A_38[%dma_start3A_39, %dma_start3A_40] : memref<100000x128xf32, #tpu.memory_space<hbm>> -> memref<100000x128xf32, #tpu.memory_space<hbm>>
    tpu.enqueue_indirect_dma source(%dma_start3A_41 : memref<100000x128xf32, #tpu.memory_space<hbm>>) target(%arg10 : memref<128x128xf32, #tpu.memory_space<vmem>>) offsets(%arg5 : memref<128xi32, #tpu.memory_space<vmem>>) semaphore(%arg16 : memref<!tpu.dma_semaphore, #tpu.memory_space<semaphore_mem>>)
    %dma_start3A_42 = arith.constant 5 : i32
    %dma_start3A_43 = arith.constant 0 : i32
    %dma_start3A_44 = arith.constant 0 : i32
    %dma_start3A_45 = tpu.memref_slice %arg2[%dma_start3A_42, %dma_start3A_43, %dma_start3A_44] : memref<12x100000x128xf32, #tpu.memory_space<hbm>> -> memref<1x100000x128xf32, #tpu.memory_space<hbm>>
    %dma_start3A_46 = tpu.memref_squeeze %dma_start3A_45 : memref<1x100000x128xf32, #tpu.memory_space<hbm>> -> memref<100000x128xf32, #tpu.memory_space<hbm>>
    %dma_start3A_47 = arith.constant 0 : i32
    %dma_start3A_48 = arith.constant 0 : i32
    %dma_start3A_49 = tpu.memref_slice %dma_start3A_46[%dma_start3A_47, %dma_start3A_48] : memref<100000x128xf32, #tpu.memory_space<hbm>> -> memref<100000x128xf32, #tpu.memory_space<hbm>>
    tpu.enqueue_indirect_dma source(%dma_start3A_49 : memref<100000x128xf32, #tpu.memory_space<hbm>>) target(%arg11 : memref<128x128xf32, #tpu.memory_space<vmem>>) offsets(%arg5 : memref<128xi32, #tpu.memory_space<vmem>>) semaphore(%arg17 : memref<!tpu.dma_semaphore, #tpu.memory_space<semaphore_mem>>)
    %dma_wait3A = arith.constant 0 : i32
    %dma_wait3A_50 = arith.constant 0 : i32
    %dma_wait3A_51 = arith.constant 0 : i32
    %dma_wait3A_52 = tpu.memref_slice %arg2[%dma_wait3A, %dma_wait3A_50, %dma_wait3A_51] : memref<12x100000x128xf32, #tpu.memory_space<hbm>> -> memref<1x100000x128xf32, #tpu.memory_space<hbm>>
    %dma_wait3A_53 = tpu.memref_squeeze %dma_wait3A_52 : memref<1x100000x128xf32, #tpu.memory_space<hbm>> -> memref<100000x128xf32, #tpu.memory_space<hbm>>
    %dma_wait3A_54 = arith.constant 0 : i32
    %dma_wait3A_55 = arith.constant 0 : i32
    %dma_wait3A_56 = tpu.memref_slice %dma_wait3A_53[%dma_wait3A_54, %dma_wait3A_55] : memref<100000x128xf32, #tpu.memory_space<hbm>> -> memref<100000x128xf32, #tpu.memory_space<hbm>>
    tpu.wait_indirect_dma semaphore(%arg12 : memref<!tpu.dma_semaphore, #tpu.memory_space<semaphore_mem>>) src(%dma_wait3A_56 : memref<100000x128xf32, #tpu.memory_space<hbm>>) dst(%arg6 : memref<128x128xf32, #tpu.memory_space<vmem>>)
    %dma_start3A_57 = arith.constant 0 : i32
    %dma_start3A_58 = arith.constant 0 : i32
    %dma_start3A_59 = arith.constant 0 : i32
    %dma_start3A_60 = tpu.memref_slice %arg4[%dma_start3A_57, %dma_start3A_58, %dma_start3A_59] : memref<12x4096x128xf32, #tpu.memory_space<hbm>> -> memref<1x4096x128xf32, #tpu.memory_space<hbm>>
    %dma_start3A_61 = tpu.memref_squeeze %dma_start3A_60 : memref<1x4096x128xf32, #tpu.memory_space<hbm>> -> memref<4096x128xf32, #tpu.memory_space<hbm>>
    %dma_start3A_62 = arith.constant 0 : i32
    %dma_start3A_63 = tpu.memref_slice %dma_start3A_61[%mul3A_2, %dma_start3A_62] : memref<4096x128xf32, #tpu.memory_space<hbm>> -> memref<128x128xf32, #tpu.memory_space<hbm>>
    %dma_start3A_64 = arith.constant 0 : i32
    %dma_start3A_65 = arith.constant 0 : i32
    %dma_start3A_66 = tpu.memref_slice %arg4[%dma_start3A_57, %dma_start3A_64, %dma_start3A_65] : memref<12x4096x128xf32, #tpu.memory_space<hbm>> -> memref<1x4096x128xf32, #tpu.memory_space<hbm>>
    %dma_start3A_67 = tpu.memref_squeeze %dma_start3A_66 : memref<1x4096x128xf32, #tpu.memory_space<hbm>> -> memref<4096x128xf32, #tpu.memory_space<hbm>>
    %dma_start3A_68 = arith.constant 0 : i32
    %dma_start3A_69 = tpu.memref_slice %dma_start3A_67[%mul3A_2, %dma_start3A_68] : memref<4096x128xf32, #tpu.memory_space<hbm>> -> memref<128x128xf32, #tpu.memory_space<hbm>>
    tpu.enqueue_dma source(%arg6 : memref<128x128xf32, #tpu.memory_space<vmem>>) target(%dma_start3A_69 : memref<128x128xf32, #tpu.memory_space<hbm>>) target_semaphore(%arg18 : memref<!tpu.dma_semaphore, #tpu.memory_space<semaphore_mem>>)
    %dma_wait3A_70 = arith.constant 0 : i32
    %dma_wait3A_71 = arith.constant 0 : i32
    %dma_wait3A_72 = arith.constant 0 : i32
    %dma_wait3A_73 = tpu.memref_slice %arg4[%dma_wait3A_70, %dma_wait3A_71, %dma_wait3A_72] : memref<12x4096x128xf32, #tpu.memory_space<hbm>> -> memref<1x4096x128xf32, #tpu.memory_space<hbm>>
    %dma_wait3A_74 = tpu.memref_squeeze %dma_wait3A_73 : memref<1x4096x128xf32, #tpu.memory_space<hbm>> -> memref<4096x128xf32, #tpu.memory_space<hbm>>
    %dma_wait3A_75 = arith.constant 0 : i32
    %dma_wait3A_76 = tpu.memref_slice %dma_wait3A_74[%mul3A_2, %dma_wait3A_75] : memref<4096x128xf32, #tpu.memory_space<hbm>> -> memref<128x128xf32, #tpu.memory_space<hbm>>
    %dma_wait3A_77 = arith.constant 0 : i32
    %dma_wait3A_78 = arith.constant 0 : i32
    %dma_wait3A_79 = tpu.memref_slice %arg4[%dma_wait3A_70, %dma_wait3A_77, %dma_wait3A_78] : memref<12x4096x128xf32, #tpu.memory_space<hbm>> -> memref<1x4096x128xf32, #tpu.memory_space<hbm>>
    %dma_wait3A_80 = tpu.memref_squeeze %dma_wait3A_79 : memref<1x4096x128xf32, #tpu.memory_space<hbm>> -> memref<4096x128xf32, #tpu.memory_space<hbm>>
    %dma_wait3A_81 = arith.constant 0 : i32
    %dma_wait3A_82 = tpu.memref_slice %dma_wait3A_80[%mul3A_2, %dma_wait3A_81] : memref<4096x128xf32, #tpu.memory_space<hbm>> -> memref<128x128xf32, #tpu.memory_space<hbm>>
    tpu.wait_dma2 semaphore(%arg18 : memref<!tpu.dma_semaphore, #tpu.memory_space<semaphore_mem>>) src(%arg6 : memref<128x128xf32, #tpu.memory_space<vmem>>) dst(%dma_wait3A_82 : memref<128x128xf32, #tpu.memory_space<hbm>>)
    %dma_start3A_83 = arith.constant 6 : i32
    %dma_start3A_84 = arith.constant 0 : i32
    %dma_start3A_85 = arith.constant 0 : i32
    %dma_start3A_86 = tpu.memref_slice %arg2[%dma_start3A_83, %dma_start3A_84, %dma_start3A_85] : memref<12x100000x128xf32, #tpu.memory_space<hbm>> -> memref<1x100000x128xf32, #tpu.memory_space<hbm>>
    %dma_start3A_87 = tpu.memref_squeeze %dma_start3A_86 : memref<1x100000x128xf32, #tpu.memory_space<hbm>> -> memref<100000x128xf32, #tpu.memory_space<hbm>>
    %dma_start3A_88 = arith.constant 0 : i32
    %dma_start3A_89 = arith.constant 0 : i32
    %dma_start3A_90 = tpu.memref_slice %dma_start3A_87[%dma_start3A_88, %dma_start3A_89] : memref<100000x128xf32, #tpu.memory_space<hbm>> -> memref<100000x128xf32, #tpu.memory_space<hbm>>
    tpu.enqueue_indirect_dma source(%dma_start3A_90 : memref<100000x128xf32, #tpu.memory_space<hbm>>) target(%arg6 : memref<128x128xf32, #tpu.memory_space<vmem>>) offsets(%arg5 : memref<128xi32, #tpu.memory_space<vmem>>) semaphore(%arg12 : memref<!tpu.dma_semaphore, #tpu.memory_space<semaphore_mem>>)
    %dma_wait3A_91 = arith.constant 1 : i32
    %dma_wait3A_92 = arith.constant 0 : i32
    %dma_wait3A_93 = arith.constant 0 : i32
    %dma_wait3A_94 = tpu.memref_slice %arg2[%dma_wait3A_91, %dma_wait3A_92, %dma_wait3A_93] : memref<12x100000x128xf32, #tpu.memory_space<hbm>> -> memref<1x100000x128xf32, #tpu.memory_space<hbm>>
    %dma_wait3A_95 = tpu.memref_squeeze %dma_wait3A_94 : memref<1x100000x128xf32, #tpu.memory_space<hbm>> -> memref<100000x128xf32, #tpu.memory_space<hbm>>
    %dma_wait3A_96 = arith.constant 0 : i32
    %dma_wait3A_97 = arith.constant 0 : i32
    %dma_wait3A_98 = tpu.memref_slice %dma_wait3A_95[%dma_wait3A_96, %dma_wait3A_97] : memref<100000x128xf32, #tpu.memory_space<hbm>> -> memref<100000x128xf32, #tpu.memory_space<hbm>>
    tpu.wait_indirect_dma semaphore(%arg13 : memref<!tpu.dma_semaphore, #tpu.memory_space<semaphore_mem>>) src(%dma_wait3A_98 : memref<100000x128xf32, #tpu.memory_space<hbm>>) dst(%arg7 : memref<128x128xf32, #tpu.memory_space<vmem>>)
    %dma_start3A_99 = arith.constant 1 : i32
    %dma_start3A_100 = arith.constant 0 : i32
    %dma_start3A_101 = arith.constant 0 : i32
    %dma_start3A_102 = tpu.memref_slice %arg4[%dma_start3A_99, %dma_start3A_100, %dma_start3A_101] : memref<12x4096x128xf32, #tpu.memory_space<hbm>> -> memref<1x4096x128xf32, #tpu.memory_space<hbm>>
    %dma_start3A_103 = tpu.memref_squeeze %dma_start3A_102 : memref<1x4096x128xf32, #tpu.memory_space<hbm>> -> memref<4096x128xf32, #tpu.memory_space<hbm>>
    %dma_start3A_104 = arith.constant 0 : i32
    %dma_start3A_105 = tpu.memref_slice %dma_start3A_103[%mul3A_2, %dma_start3A_104] : memref<4096x128xf32, #tpu.memory_space<hbm>> -> memref<128x128xf32, #tpu.memory_space<hbm>>
    %dma_start3A_106 = arith.constant 0 : i32
    %dma_start3A_107 = arith.constant 0 : i32
    %dma_start3A_108 = tpu.memref_slice %arg4[%dma_start3A_99, %dma_start3A_106, %dma_start3A_107] : memref<12x4096x128xf32, #tpu.memory_space<hbm>> -> memref<1x4096x128xf32, #tpu.memory_space<hbm>>
    %dma_start3A_109 = tpu.memref_squeeze %dma_start3A_108 : memref<1x4096x128xf32, #tpu.memory_space<hbm>> -> memref<4096x128xf32, #tpu.memory_space<hbm>>
    %dma_start3A_110 = arith.constant 0 : i32
    %dma_start3A_111 = tpu.memref_slice %dma_start3A_109[%mul3A_2, %dma_start3A_110] : memref<4096x128xf32, #tpu.memory_space<hbm>> -> memref<128x128xf32, #tpu.memory_space<hbm>>
    tpu.enqueue_dma source(%arg7 : memref<128x128xf32, #tpu.memory_space<vmem>>) target(%dma_start3A_111 : memref<128x128xf32, #tpu.memory_space<hbm>>) target_semaphore(%arg19 : memref<!tpu.dma_semaphore, #tpu.memory_space<semaphore_mem>>)
    %dma_wait3A_112 = arith.constant 1 : i32
    %dma_wait3A_113 = arith.constant 0 : i32
    %dma_wait3A_114 = arith.constant 0 : i32
    %dma_wait3A_115 = tpu.memref_slice %arg4[%dma_wait3A_112, %dma_wait3A_113, %dma_wait3A_114] : memref<12x4096x128xf32, #tpu.memory_space<hbm>> -> memref<1x4096x128xf32, #tpu.memory_space<hbm>>
    %dma_wait3A_116 = tpu.memref_squeeze %dma_wait3A_115 : memref<1x4096x128xf32, #tpu.memory_space<hbm>> -> memref<4096x128xf32, #tpu.memory_space<hbm>>
    %dma_wait3A_117 = arith.constant 0 : i32
    %dma_wait3A_118 = tpu.memref_slice %dma_wait3A_116[%mul3A_2, %dma_wait3A_117] : memref<4096x128xf32, #tpu.memory_space<hbm>> -> memref<128x128xf32, #tpu.memory_space<hbm>>
    %dma_wait3A_119 = arith.constant 0 : i32
    %dma_wait3A_120 = arith.constant 0 : i32
    %dma_wait3A_121 = tpu.memref_slice %arg4[%dma_wait3A_112, %dma_wait3A_119, %dma_wait3A_120] : memref<12x4096x128xf32, #tpu.memory_space<hbm>> -> memref<1x4096x128xf32, #tpu.memory_space<hbm>>
    %dma_wait3A_122 = tpu.memref_squeeze %dma_wait3A_121 : memref<1x4096x128xf32, #tpu.memory_space<hbm>> -> memref<4096x128xf32, #tpu.memory_space<hbm>>
    %dma_wait3A_123 = arith.constant 0 : i32
    %dma_wait3A_124 = tpu.memref_slice %dma_wait3A_122[%mul3A_2, %dma_wait3A_123] : memref<4096x128xf32, #tpu.memory_space<hbm>> -> memref<128x128xf32, #tpu.memory_space<hbm>>
    tpu.wait_dma2 semaphore(%arg19 : memref<!tpu.dma_semaphore, #tpu.memory_space<semaphore_mem>>) src(%arg7 : memref<128x128xf32, #tpu.memory_space<vmem>>) dst(%dma_wait3A_124 : memref<128x128xf32, #tpu.memory_space<hbm>>)
    %dma_start3A_125 = arith.constant 7 : i32
    %dma_start3A_126 = arith.constant 0 : i32
    %dma_start3A_127 = arith.constant 0 : i32
    %dma_start3A_128 = tpu.memref_slice %arg2[%dma_start3A_125, %dma_start3A_126, %dma_start3A_127] : memref<12x100000x128xf32, #tpu.memory_space<hbm>> -> memref<1x100000x128xf32, #tpu.memory_space<hbm>>
    %dma_start3A_129 = tpu.memref_squeeze %dma_start3A_128 : memref<1x100000x128xf32, #tpu.memory_space<hbm>> -> memref<100000x128xf32, #tpu.memory_space<hbm>>
    %dma_start3A_130 = arith.constant 0 : i32
    %dma_start3A_131 = arith.constant 0 : i32
    %dma_start3A_132 = tpu.memref_slice %dma_start3A_129[%dma_start3A_130, %dma_start3A_131] : memref<100000x128xf32, #tpu.memory_space<hbm>> -> memref<100000x128xf32, #tpu.memory_space<hbm>>
    tpu.enqueue_indirect_dma source(%dma_start3A_132 : memref<100000x128xf32, #tpu.memory_space<hbm>>) target(%arg7 : memref<128x128xf32, #tpu.memory_space<vmem>>) offsets(%arg5 : memref<128xi32, #tpu.memory_space<vmem>>) semaphore(%arg13 : memref<!tpu.dma_semaphore, #tpu.memory_space<semaphore_mem>>)
    %dma_wait3A_133 = arith.constant 2 : i32
    %dma_wait3A_134 = arith.constant 0 : i32
    %dma_wait3A_135 = arith.constant 0 : i32
    %dma_wait3A_136 = tpu.memref_slice %arg2[%dma_wait3A_133, %dma_wait3A_134, %dma_wait3A_135] : memref<12x100000x128xf32, #tpu.memory_space<hbm>> -> memref<1x100000x128xf32, #tpu.memory_space<hbm>>
    %dma_wait3A_137 = tpu.memref_squeeze %dma_wait3A_136 : memref<1x100000x128xf32, #tpu.memory_space<hbm>> -> memref<100000x128xf32, #tpu.memory_space<hbm>>
    %dma_wait3A_138 = arith.constant 0 : i32
    %dma_wait3A_139 = arith.constant 0 : i32
    %dma_wait3A_140 = tpu.memref_slice %dma_wait3A_137[%dma_wait3A_138, %dma_wait3A_139] : memref<100000x128xf32, #tpu.memory_space<hbm>> -> memref<100000x128xf32, #tpu.memory_space<hbm>>
    tpu.wait_indirect_dma semaphore(%arg14 : memref<!tpu.dma_semaphore, #tpu.memory_space<semaphore_mem>>) src(%dma_wait3A_140 : memref<100000x128xf32, #tpu.memory_space<hbm>>) dst(%arg8 : memref<128x128xf32, #tpu.memory_space<vmem>>)
    %dma_start3A_141 = arith.constant 2 : i32
    %dma_start3A_142 = arith.constant 0 : i32
    %dma_start3A_143 = arith.constant 0 : i32
    %dma_start3A_144 = tpu.memref_slice %arg4[%dma_start3A_141, %dma_start3A_142, %dma_start3A_143] : memref<12x4096x128xf32, #tpu.memory_space<hbm>> -> memref<1x4096x128xf32, #tpu.memory_space<hbm>>
    %dma_start3A_145 = tpu.memref_squeeze %dma_start3A_144 : memref<1x4096x128xf32, #tpu.memory_space<hbm>> -> memref<4096x128xf32, #tpu.memory_space<hbm>>
    %dma_start3A_146 = arith.constant 0 : i32
    %dma_start3A_147 = tpu.memref_slice %dma_start3A_145[%mul3A_2, %dma_start3A_146] : memref<4096x128xf32, #tpu.memory_space<hbm>> -> memref<128x128xf32, #tpu.memory_space<hbm>>
    %dma_start3A_148 = arith.constant 0 : i32
    %dma_start3A_149 = arith.constant 0 : i32
    %dma_start3A_150 = tpu.memref_slice %arg4[%dma_start3A_141, %dma_start3A_148, %dma_start3A_149] : memref<12x4096x128xf32, #tpu.memory_space<hbm>> -> memref<1x4096x128xf32, #tpu.memory_space<hbm>>
    %dma_start3A_151 = tpu.memref_squeeze %dma_start3A_150 : memref<1x4096x128xf32, #tpu.memory_space<hbm>> -> memref<4096x128xf32, #tpu.memory_space<hbm>>
    %dma_start3A_152 = arith.constant 0 : i32
    %dma_start3A_153 = tpu.memref_slice %dma_start3A_151[%mul3A_2, %dma_start3A_152] : memref<4096x128xf32, #tpu.memory_space<hbm>> -> memref<128x128xf32, #tpu.memory_space<hbm>>
    tpu.enqueue_dma source(%arg8 : memref<128x128xf32, #tpu.memory_space<vmem>>) target(%dma_start3A_153 : memref<128x128xf32, #tpu.memory_space<hbm>>) target_semaphore(%arg20 : memref<!tpu.dma_semaphore, #tpu.memory_space<semaphore_mem>>)
    %dma_wait3A_154 = arith.constant 2 : i32
    %dma_wait3A_155 = arith.constant 0 : i32
    %dma_wait3A_156 = arith.constant 0 : i32
    %dma_wait3A_157 = tpu.memref_slice %arg4[%dma_wait3A_154, %dma_wait3A_155, %dma_wait3A_156] : memref<12x4096x128xf32, #tpu.memory_space<hbm>> -> memref<1x4096x128xf32, #tpu.memory_space<hbm>>
    %dma_wait3A_158 = tpu.memref_squeeze %dma_wait3A_157 : memref<1x4096x128xf32, #tpu.memory_space<hbm>> -> memref<4096x128xf32, #tpu.memory_space<hbm>>
    %dma_wait3A_159 = arith.constant 0 : i32
    %dma_wait3A_160 = tpu.memref_slice %dma_wait3A_158[%mul3A_2, %dma_wait3A_159] : memref<4096x128xf32, #tpu.memory_space<hbm>> -> memref<128x128xf32, #tpu.memory_space<hbm>>
    %dma_wait3A_161 = arith.constant 0 : i32
    %dma_wait3A_162 = arith.constant 0 : i32
    %dma_wait3A_163 = tpu.memref_slice %arg4[%dma_wait3A_154, %dma_wait3A_161, %dma_wait3A_162] : memref<12x4096x128xf32, #tpu.memory_space<hbm>> -> memref<1x4096x128xf32, #tpu.memory_space<hbm>>
    %dma_wait3A_164 = tpu.memref_squeeze %dma_wait3A_163 : memref<1x4096x128xf32, #tpu.memory_space<hbm>> -> memref<4096x128xf32, #tpu.memory_space<hbm>>
    %dma_wait3A_165 = arith.constant 0 : i32
    %dma_wait3A_166 = tpu.memref_slice %dma_wait3A_164[%mul3A_2, %dma_wait3A_165] : memref<4096x128xf32, #tpu.memory_space<hbm>> -> memref<128x128xf32, #tpu.memory_space<hbm>>
    tpu.wait_dma2 semaphore(%arg20 : memref<!tpu.dma_semaphore, #tpu.memory_space<semaphore_mem>>) src(%arg8 : memref<128x128xf32, #tpu.memory_space<vmem>>) dst(%dma_wait3A_166 : memref<128x128xf32, #tpu.memory_space<hbm>>)
    %dma_start3A_167 = arith.constant 8 : i32
    %dma_start3A_168 = arith.constant 0 : i32
    %dma_start3A_169 = arith.constant 0 : i32
    %dma_start3A_170 = tpu.memref_slice %arg2[%dma_start3A_167, %dma_start3A_168, %dma_start3A_169] : memref<12x100000x128xf32, #tpu.memory_space<hbm>> -> memref<1x100000x128xf32, #tpu.memory_space<hbm>>
    %dma_start3A_171 = tpu.memref_squeeze %dma_start3A_170 : memref<1x100000x128xf32, #tpu.memory_space<hbm>> -> memref<100000x128xf32, #tpu.memory_space<hbm>>
    %dma_start3A_172 = arith.constant 0 : i32
    %dma_start3A_173 = arith.constant 0 : i32
    %dma_start3A_174 = tpu.memref_slice %dma_start3A_171[%dma_start3A_172, %dma_start3A_173] : memref<100000x128xf32, #tpu.memory_space<hbm>> -> memref<100000x128xf32, #tpu.memory_space<hbm>>
    tpu.enqueue_indirect_dma source(%dma_start3A_174 : memref<100000x128xf32, #tpu.memory_space<hbm>>) target(%arg8 : memref<128x128xf32, #tpu.memory_space<vmem>>) offsets(%arg5 : memref<128xi32, #tpu.memory_space<vmem>>) semaphore(%arg14 : memref<!tpu.dma_semaphore, #tpu.memory_space<semaphore_mem>>)
    %dma_wait3A_175 = arith.constant 3 : i32
    %dma_wait3A_176 = arith.constant 0 : i32
    %dma_wait3A_177 = arith.constant 0 : i32
    %dma_wait3A_178 = tpu.memref_slice %arg2[%dma_wait3A_175, %dma_wait3A_176, %dma_wait3A_177] : memref<12x100000x128xf32, #tpu.memory_space<hbm>> -> memref<1x100000x128xf32, #tpu.memory_space<hbm>>
    %dma_wait3A_179 = tpu.memref_squeeze %dma_wait3A_178 : memref<1x100000x128xf32, #tpu.memory_space<hbm>> -> memref<100000x128xf32, #tpu.memory_space<hbm>>
    %dma_wait3A_180 = arith.constant 0 : i32
    %dma_wait3A_181 = arith.constant 0 : i32
    %dma_wait3A_182 = tpu.memref_slice %dma_wait3A_179[%dma_wait3A_180, %dma_wait3A_181] : memref<100000x128xf32, #tpu.memory_space<hbm>> -> memref<100000x128xf32, #tpu.memory_space<hbm>>
    tpu.wait_indirect_dma semaphore(%arg15 : memref<!tpu.dma_semaphore, #tpu.memory_space<semaphore_mem>>) src(%dma_wait3A_182 : memref<100000x128xf32, #tpu.memory_space<hbm>>) dst(%arg9 : memref<128x128xf32, #tpu.memory_space<vmem>>)
    %dma_start3A_183 = arith.constant 3 : i32
    %dma_start3A_184 = arith.constant 0 : i32
    %dma_start3A_185 = arith.constant 0 : i32
    %dma_start3A_186 = tpu.memref_slice %arg4[%dma_start3A_183, %dma_start3A_184, %dma_start3A_185] : memref<12x4096x128xf32, #tpu.memory_space<hbm>> -> memref<1x4096x128xf32, #tpu.memory_space<hbm>>
    %dma_start3A_187 = tpu.memref_squeeze %dma_start3A_186 : memref<1x4096x128xf32, #tpu.memory_space<hbm>> -> memref<4096x128xf32, #tpu.memory_space<hbm>>
    %dma_start3A_188 = arith.constant 0 : i32
    %dma_start3A_189 = tpu.memref_slice %dma_start3A_187[%mul3A_2, %dma_start3A_188] : memref<4096x128xf32, #tpu.memory_space<hbm>> -> memref<128x128xf32, #tpu.memory_space<hbm>>
    %dma_start3A_190 = arith.constant 0 : i32
    %dma_start3A_191 = arith.constant 0 : i32
    %dma_start3A_192 = tpu.memref_slice %arg4[%dma_start3A_183, %dma_start3A_190, %dma_start3A_191] : memref<12x4096x128xf32, #tpu.memory_space<hbm>> -> memref<1x4096x128xf32, #tpu.memory_space<hbm>>
    %dma_start3A_193 = tpu.memref_squeeze %dma_start3A_192 : memref<1x4096x128xf32, #tpu.memory_space<hbm>> -> memref<4096x128xf32, #tpu.memory_space<hbm>>
    %dma_start3A_194 = arith.constant 0 : i32
    %dma_start3A_195 = tpu.memref_slice %dma_start3A_193[%mul3A_2, %dma_start3A_194] : memref<4096x128xf32, #tpu.memory_space<hbm>> -> memref<128x128xf32, #tpu.memory_space<hbm>>
    tpu.enqueue_dma source(%arg9 : memref<128x128xf32, #tpu.memory_space<vmem>>) target(%dma_start3A_195 : memref<128x128xf32, #tpu.memory_space<hbm>>) target_semaphore(%arg21 : memref<!tpu.dma_semaphore, #tpu.memory_space<semaphore_mem>>)
    %dma_wait3A_196 = arith.constant 3 : i32
    %dma_wait3A_197 = arith.constant 0 : i32
    %dma_wait3A_198 = arith.constant 0 : i32
    %dma_wait3A_199 = tpu.memref_slice %arg4[%dma_wait3A_196, %dma_wait3A_197, %dma_wait3A_198] : memref<12x4096x128xf32, #tpu.memory_space<hbm>> -> memref<1x4096x128xf32, #tpu.memory_space<hbm>>
    %dma_wait3A_200 = tpu.memref_squeeze %dma_wait3A_199 : memref<1x4096x128xf32, #tpu.memory_space<hbm>> -> memref<4096x128xf32, #tpu.memory_space<hbm>>
    %dma_wait3A_201 = arith.constant 0 : i32
    %dma_wait3A_202 = tpu.memref_slice %dma_wait3A_200[%mul3A_2, %dma_wait3A_201] : memref<4096x128xf32, #tpu.memory_space<hbm>> -> memref<128x128xf32, #tpu.memory_space<hbm>>
    %dma_wait3A_203 = arith.constant 0 : i32
    %dma_wait3A_204 = arith.constant 0 : i32
    %dma_wait3A_205 = tpu.memref_slice %arg4[%dma_wait3A_196, %dma_wait3A_203, %dma_wait3A_204] : memref<12x4096x128xf32, #tpu.memory_space<hbm>> -> memref<1x4096x128xf32, #tpu.memory_space<hbm>>
    %dma_wait3A_206 = tpu.memref_squeeze %dma_wait3A_205 : memref<1x4096x128xf32, #tpu.memory_space<hbm>> -> memref<4096x128xf32, #tpu.memory_space<hbm>>
    %dma_wait3A_207 = arith.constant 0 : i32
    %dma_wait3A_208 = tpu.memref_slice %dma_wait3A_206[%mul3A_2, %dma_wait3A_207] : memref<4096x128xf32, #tpu.memory_space<hbm>> -> memref<128x128xf32, #tpu.memory_space<hbm>>
    tpu.wait_dma2 semaphore(%arg21 : memref<!tpu.dma_semaphore, #tpu.memory_space<semaphore_mem>>) src(%arg9 : memref<128x128xf32, #tpu.memory_space<vmem>>) dst(%dma_wait3A_208 : memref<128x128xf32, #tpu.memory_space<hbm>>)
    %dma_start3A_209 = arith.constant 9 : i32
    %dma_start3A_210 = arith.constant 0 : i32
    %dma_start3A_211 = arith.constant 0 : i32
    %dma_start3A_212 = tpu.memref_slice %arg2[%dma_start3A_209, %dma_start3A_210, %dma_start3A_211] : memref<12x100000x128xf32, #tpu.memory_space<hbm>> -> memref<1x100000x128xf32, #tpu.memory_space<hbm>>
    %dma_start3A_213 = tpu.memref_squeeze %dma_start3A_212 : memref<1x100000x128xf32, #tpu.memory_space<hbm>> -> memref<100000x128xf32, #tpu.memory_space<hbm>>
    %dma_start3A_214 = arith.constant 0 : i32
    %dma_start3A_215 = arith.constant 0 : i32
    %dma_start3A_216 = tpu.memref_slice %dma_start3A_213[%dma_start3A_214, %dma_start3A_215] : memref<100000x128xf32, #tpu.memory_space<hbm>> -> memref<100000x128xf32, #tpu.memory_space<hbm>>
    tpu.enqueue_indirect_dma source(%dma_start3A_216 : memref<100000x128xf32, #tpu.memory_space<hbm>>) target(%arg9 : memref<128x128xf32, #tpu.memory_space<vmem>>) offsets(%arg5 : memref<128xi32, #tpu.memory_space<vmem>>) semaphore(%arg15 : memref<!tpu.dma_semaphore, #tpu.memory_space<semaphore_mem>>)
    %dma_wait3A_217 = arith.constant 4 : i32
    %dma_wait3A_218 = arith.constant 0 : i32
    %dma_wait3A_219 = arith.constant 0 : i32
    %dma_wait3A_220 = tpu.memref_slice %arg2[%dma_wait3A_217, %dma_wait3A_218, %dma_wait3A_219] : memref<12x100000x128xf32, #tpu.memory_space<hbm>> -> memref<1x100000x128xf32, #tpu.memory_space<hbm>>
    %dma_wait3A_221 = tpu.memref_squeeze %dma_wait3A_220 : memref<1x100000x128xf32, #tpu.memory_space<hbm>> -> memref<100000x128xf32, #tpu.memory_space<hbm>>
    %dma_wait3A_222 = arith.constant 0 : i32
    %dma_wait3A_223 = arith.constant 0 : i32
    %dma_wait3A_224 = tpu.memref_slice %dma_wait3A_221[%dma_wait3A_222, %dma_wait3A_223] : memref<100000x128xf32, #tpu.memory_space<hbm>> -> memref<100000x128xf32, #tpu.memory_space<hbm>>
    tpu.wait_indirect_dma semaphore(%arg16 : memref<!tpu.dma_semaphore, #tpu.memory_space<semaphore_mem>>) src(%dma_wait3A_224 : memref<100000x128xf32, #tpu.memory_space<hbm>>) dst(%arg10 : memref<128x128xf32, #tpu.memory_space<vmem>>)
    %dma_start3A_225 = arith.constant 4 : i32
    %dma_start3A_226 = arith.constant 0 : i32
    %dma_start3A_227 = arith.constant 0 : i32
    %dma_start3A_228 = tpu.memref_slice %arg4[%dma_start3A_225, %dma_start3A_226, %dma_start3A_227] : memref<12x4096x128xf32, #tpu.memory_space<hbm>> -> memref<1x4096x128xf32, #tpu.memory_space<hbm>>
    %dma_start3A_229 = tpu.memref_squeeze %dma_start3A_228 : memref<1x4096x128xf32, #tpu.memory_space<hbm>> -> memref<4096x128xf32, #tpu.memory_space<hbm>>
    %dma_start3A_230 = arith.constant 0 : i32
    %dma_start3A_231 = tpu.memref_slice %dma_start3A_229[%mul3A_2, %dma_start3A_230] : memref<4096x128xf32, #tpu.memory_space<hbm>> -> memref<128x128xf32, #tpu.memory_space<hbm>>
    %dma_start3A_232 = arith.constant 0 : i32
    %dma_start3A_233 = arith.constant 0 : i32
    %dma_start3A_234 = tpu.memref_slice %arg4[%dma_start3A_225, %dma_start3A_232, %dma_start3A_233] : memref<12x4096x128xf32, #tpu.memory_space<hbm>> -> memref<1x4096x128xf32, #tpu.memory_space<hbm>>
    %dma_start3A_235 = tpu.memref_squeeze %dma_start3A_234 : memref<1x4096x128xf32, #tpu.memory_space<hbm>> -> memref<4096x128xf32, #tpu.memory_space<hbm>>
    %dma_start3A_236 = arith.constant 0 : i32
    %dma_start3A_237 = tpu.memref_slice %dma_start3A_235[%mul3A_2, %dma_start3A_236] : memref<4096x128xf32, #tpu.memory_space<hbm>> -> memref<128x128xf32, #tpu.memory_space<hbm>>
    tpu.enqueue_dma source(%arg10 : memref<128x128xf32, #tpu.memory_space<vmem>>) target(%dma_start3A_237 : memref<128x128xf32, #tpu.memory_space<hbm>>) target_semaphore(%arg22 : memref<!tpu.dma_semaphore, #tpu.memory_space<semaphore_mem>>)
    %dma_wait3A_238 = arith.constant 4 : i32
    %dma_wait3A_239 = arith.constant 0 : i32
    %dma_wait3A_240 = arith.constant 0 : i32
    %dma_wait3A_241 = tpu.memref_slice %arg4[%dma_wait3A_238, %dma_wait3A_239, %dma_wait3A_240] : memref<12x4096x128xf32, #tpu.memory_space<hbm>> -> memref<1x4096x128xf32, #tpu.memory_space<hbm>>
    %dma_wait3A_242 = tpu.memref_squeeze %dma_wait3A_241 : memref<1x4096x128xf32, #tpu.memory_space<hbm>> -> memref<4096x128xf32, #tpu.memory_space<hbm>>
    %dma_wait3A_243 = arith.constant 0 : i32
    %dma_wait3A_244 = tpu.memref_slice %dma_wait3A_242[%mul3A_2, %dma_wait3A_243] : memref<4096x128xf32, #tpu.memory_space<hbm>> -> memref<128x128xf32, #tpu.memory_space<hbm>>
    %dma_wait3A_245 = arith.constant 0 : i32
    %dma_wait3A_246 = arith.constant 0 : i32
    %dma_wait3A_247 = tpu.memref_slice %arg4[%dma_wait3A_238, %dma_wait3A_245, %dma_wait3A_246] : memref<12x4096x128xf32, #tpu.memory_space<hbm>> -> memref<1x4096x128xf32, #tpu.memory_space<hbm>>
    %dma_wait3A_248 = tpu.memref_squeeze %dma_wait3A_247 : memref<1x4096x128xf32, #tpu.memory_space<hbm>> -> memref<4096x128xf32, #tpu.memory_space<hbm>>
    %dma_wait3A_249 = arith.constant 0 : i32
    %dma_wait3A_250 = tpu.memref_slice %dma_wait3A_248[%mul3A_2, %dma_wait3A_249] : memref<4096x128xf32, #tpu.memory_space<hbm>> -> memref<128x128xf32, #tpu.memory_space<hbm>>
    tpu.wait_dma2 semaphore(%arg22 : memref<!tpu.dma_semaphore, #tpu.memory_space<semaphore_mem>>) src(%arg10 : memref<128x128xf32, #tpu.memory_space<vmem>>) dst(%dma_wait3A_250 : memref<128x128xf32, #tpu.memory_space<hbm>>)
    %dma_start3A_251 = arith.constant 10 : i32
    %dma_start3A_252 = arith.constant 0 : i32
    %dma_start3A_253 = arith.constant 0 : i32
    %dma_start3A_254 = tpu.memref_slice %arg2[%dma_start3A_251, %dma_start3A_252, %dma_start3A_253] : memref<12x100000x128xf32, #tpu.memory_space<hbm>> -> memref<1x100000x128xf32, #tpu.memory_space<hbm>>
    %dma_start3A_255 = tpu.memref_squeeze %dma_start3A_254 : memref<1x100000x128xf32, #tpu.memory_space<hbm>> -> memref<100000x128xf32, #tpu.memory_space<hbm>>
    %dma_start3A_256 = arith.constant 0 : i32
    %dma_start3A_257 = arith.constant 0 : i32
    %dma_start3A_258 = tpu.memref_slice %dma_start3A_255[%dma_start3A_256, %dma_start3A_257] : memref<100000x128xf32, #tpu.memory_space<hbm>> -> memref<100000x128xf32, #tpu.memory_space<hbm>>
    tpu.enqueue_indirect_dma source(%dma_start3A_258 : memref<100000x128xf32, #tpu.memory_space<hbm>>) target(%arg10 : memref<128x128xf32, #tpu.memory_space<vmem>>) offsets(%arg5 : memref<128xi32, #tpu.memory_space<vmem>>) semaphore(%arg16 : memref<!tpu.dma_semaphore, #tpu.memory_space<semaphore_mem>>)
    %dma_wait3A_259 = arith.constant 5 : i32
    %dma_wait3A_260 = arith.constant 0 : i32
    %dma_wait3A_261 = arith.constant 0 : i32
    %dma_wait3A_262 = tpu.memref_slice %arg2[%dma_wait3A_259, %dma_wait3A_260, %dma_wait3A_261] : memref<12x100000x128xf32, #tpu.memory_space<hbm>> -> memref<1x100000x128xf32, #tpu.memory_space<hbm>>
    %dma_wait3A_263 = tpu.memref_squeeze %dma_wait3A_262 : memref<1x100000x128xf32, #tpu.memory_space<hbm>> -> memref<100000x128xf32, #tpu.memory_space<hbm>>
    %dma_wait3A_264 = arith.constant 0 : i32
    %dma_wait3A_265 = arith.constant 0 : i32
    %dma_wait3A_266 = tpu.memref_slice %dma_wait3A_263[%dma_wait3A_264, %dma_wait3A_265] : memref<100000x128xf32, #tpu.memory_space<hbm>> -> memref<100000x128xf32, #tpu.memory_space<hbm>>
    tpu.wait_indirect_dma semaphore(%arg17 : memref<!tpu.dma_semaphore, #tpu.memory_space<semaphore_mem>>) src(%dma_wait3A_266 : memref<100000x128xf32, #tpu.memory_space<hbm>>) dst(%arg11 : memref<128x128xf32, #tpu.memory_space<vmem>>)
    %dma_start3A_267 = arith.constant 5 : i32
    %dma_start3A_268 = arith.constant 0 : i32
    %dma_start3A_269 = arith.constant 0 : i32
    %dma_start3A_270 = tpu.memref_slice %arg4[%dma_start3A_267, %dma_start3A_268, %dma_start3A_269] : memref<12x4096x128xf32, #tpu.memory_space<hbm>> -> memref<1x4096x128xf32, #tpu.memory_space<hbm>>
    %dma_start3A_271 = tpu.memref_squeeze %dma_start3A_270 : memref<1x4096x128xf32, #tpu.memory_space<hbm>> -> memref<4096x128xf32, #tpu.memory_space<hbm>>
    %dma_start3A_272 = arith.constant 0 : i32
    %dma_start3A_273 = tpu.memref_slice %dma_start3A_271[%mul3A_2, %dma_start3A_272] : memref<4096x128xf32, #tpu.memory_space<hbm>> -> memref<128x128xf32, #tpu.memory_space<hbm>>
    %dma_start3A_274 = arith.constant 0 : i32
    %dma_start3A_275 = arith.constant 0 : i32
    %dma_start3A_276 = tpu.memref_slice %arg4[%dma_start3A_267, %dma_start3A_274, %dma_start3A_275] : memref<12x4096x128xf32, #tpu.memory_space<hbm>> -> memref<1x4096x128xf32, #tpu.memory_space<hbm>>
    %dma_start3A_277 = tpu.memref_squeeze %dma_start3A_276 : memref<1x4096x128xf32, #tpu.memory_space<hbm>> -> memref<4096x128xf32, #tpu.memory_space<hbm>>
    %dma_start3A_278 = arith.constant 0 : i32
    %dma_start3A_279 = tpu.memref_slice %dma_start3A_277[%mul3A_2, %dma_start3A_278] : memref<4096x128xf32, #tpu.memory_space<hbm>> -> memref<128x128xf32, #tpu.memory_space<hbm>>
    tpu.enqueue_dma source(%arg11 : memref<128x128xf32, #tpu.memory_space<vmem>>) target(%dma_start3A_279 : memref<128x128xf32, #tpu.memory_space<hbm>>) target_semaphore(%arg23 : memref<!tpu.dma_semaphore, #tpu.memory_space<semaphore_mem>>)
    %dma_wait3A_280 = arith.constant 5 : i32
    %dma_wait3A_281 = arith.constant 0 : i32
    %dma_wait3A_282 = arith.constant 0 : i32
    %dma_wait3A_283 = tpu.memref_slice %arg4[%dma_wait3A_280, %dma_wait3A_281, %dma_wait3A_282] : memref<12x4096x128xf32, #tpu.memory_space<hbm>> -> memref<1x4096x128xf32, #tpu.memory_space<hbm>>
    %dma_wait3A_284 = tpu.memref_squeeze %dma_wait3A_283 : memref<1x4096x128xf32, #tpu.memory_space<hbm>> -> memref<4096x128xf32, #tpu.memory_space<hbm>>
    %dma_wait3A_285 = arith.constant 0 : i32
    %dma_wait3A_286 = tpu.memref_slice %dma_wait3A_284[%mul3A_2, %dma_wait3A_285] : memref<4096x128xf32, #tpu.memory_space<hbm>> -> memref<128x128xf32, #tpu.memory_space<hbm>>
    %dma_wait3A_287 = arith.constant 0 : i32
    %dma_wait3A_288 = arith.constant 0 : i32
    %dma_wait3A_289 = tpu.memref_slice %arg4[%dma_wait3A_280, %dma_wait3A_287, %dma_wait3A_288] : memref<12x4096x128xf32, #tpu.memory_space<hbm>> -> memref<1x4096x128xf32, #tpu.memory_space<hbm>>
    %dma_wait3A_290 = tpu.memref_squeeze %dma_wait3A_289 : memref<1x4096x128xf32, #tpu.memory_space<hbm>> -> memref<4096x128xf32, #tpu.memory_space<hbm>>
    %dma_wait3A_291 = arith.constant 0 : i32
    %dma_wait3A_292 = tpu.memref_slice %dma_wait3A_290[%mul3A_2, %dma_wait3A_291] : memref<4096x128xf32, #tpu.memory_space<hbm>> -> memref<128x128xf32, #tpu.memory_space<hbm>>
    tpu.wait_dma2 semaphore(%arg23 : memref<!tpu.dma_semaphore, #tpu.memory_space<semaphore_mem>>) src(%arg11 : memref<128x128xf32, #tpu.memory_space<vmem>>) dst(%dma_wait3A_292 : memref<128x128xf32, #tpu.memory_space<hbm>>)
    %dma_start3A_293 = arith.constant 11 : i32
    %dma_start3A_294 = arith.constant 0 : i32
    %dma_start3A_295 = arith.constant 0 : i32
    %dma_start3A_296 = tpu.memref_slice %arg2[%dma_start3A_293, %dma_start3A_294, %dma_start3A_295] : memref<12x100000x128xf32, #tpu.memory_space<hbm>> -> memref<1x100000x128xf32, #tpu.memory_space<hbm>>
    %dma_start3A_297 = tpu.memref_squeeze %dma_start3A_296 : memref<1x100000x128xf32, #tpu.memory_space<hbm>> -> memref<100000x128xf32, #tpu.memory_space<hbm>>
    %dma_start3A_298 = arith.constant 0 : i32
    %dma_start3A_299 = arith.constant 0 : i32
    %dma_start3A_300 = tpu.memref_slice %dma_start3A_297[%dma_start3A_298, %dma_start3A_299] : memref<100000x128xf32, #tpu.memory_space<hbm>> -> memref<100000x128xf32, #tpu.memory_space<hbm>>
    tpu.enqueue_indirect_dma source(%dma_start3A_300 : memref<100000x128xf32, #tpu.memory_space<hbm>>) target(%arg11 : memref<128x128xf32, #tpu.memory_space<vmem>>) offsets(%arg5 : memref<128xi32, #tpu.memory_space<vmem>>) semaphore(%arg17 : memref<!tpu.dma_semaphore, #tpu.memory_space<semaphore_mem>>)
    %dma_wait3A_301 = arith.constant 6 : i32
    %dma_wait3A_302 = arith.constant 0 : i32
    %dma_wait3A_303 = arith.constant 0 : i32
    %dma_wait3A_304 = tpu.memref_slice %arg2[%dma_wait3A_301, %dma_wait3A_302, %dma_wait3A_303] : memref<12x100000x128xf32, #tpu.memory_space<hbm>> -> memref<1x100000x128xf32, #tpu.memory_space<hbm>>
    %dma_wait3A_305 = tpu.memref_squeeze %dma_wait3A_304 : memref<1x100000x128xf32, #tpu.memory_space<hbm>> -> memref<100000x128xf32, #tpu.memory_space<hbm>>
    %dma_wait3A_306 = arith.constant 0 : i32
    %dma_wait3A_307 = arith.constant 0 : i32
    %dma_wait3A_308 = tpu.memref_slice %dma_wait3A_305[%dma_wait3A_306, %dma_wait3A_307] : memref<100000x128xf32, #tpu.memory_space<hbm>> -> memref<100000x128xf32, #tpu.memory_space<hbm>>
    tpu.wait_indirect_dma semaphore(%arg12 : memref<!tpu.dma_semaphore, #tpu.memory_space<semaphore_mem>>) src(%dma_wait3A_308 : memref<100000x128xf32, #tpu.memory_space<hbm>>) dst(%arg6 : memref<128x128xf32, #tpu.memory_space<vmem>>)
    %dma_start3A_309 = arith.constant 6 : i32
    %dma_start3A_310 = arith.constant 0 : i32
    %dma_start3A_311 = arith.constant 0 : i32
    %dma_start3A_312 = tpu.memref_slice %arg4[%dma_start3A_309, %dma_start3A_310, %dma_start3A_311] : memref<12x4096x128xf32, #tpu.memory_space<hbm>> -> memref<1x4096x128xf32, #tpu.memory_space<hbm>>
    %dma_start3A_313 = tpu.memref_squeeze %dma_start3A_312 : memref<1x4096x128xf32, #tpu.memory_space<hbm>> -> memref<4096x128xf32, #tpu.memory_space<hbm>>
    %dma_start3A_314 = arith.constant 0 : i32
    %dma_start3A_315 = tpu.memref_slice %dma_start3A_313[%mul3A_2, %dma_start3A_314] : memref<4096x128xf32, #tpu.memory_space<hbm>> -> memref<128x128xf32, #tpu.memory_space<hbm>>
    %dma_start3A_316 = arith.constant 0 : i32
    %dma_start3A_317 = arith.constant 0 : i32
    %dma_start3A_318 = tpu.memref_slice %arg4[%dma_start3A_309, %dma_start3A_316, %dma_start3A_317] : memref<12x4096x128xf32, #tpu.memory_space<hbm>> -> memref<1x4096x128xf32, #tpu.memory_space<hbm>>
    %dma_start3A_319 = tpu.memref_squeeze %dma_start3A_318 : memref<1x4096x128xf32, #tpu.memory_space<hbm>> -> memref<4096x128xf32, #tpu.memory_space<hbm>>
    %dma_start3A_320 = arith.constant 0 : i32
    %dma_start3A_321 = tpu.memref_slice %dma_start3A_319[%mul3A_2, %dma_start3A_320] : memref<4096x128xf32, #tpu.memory_space<hbm>> -> memref<128x128xf32, #tpu.memory_space<hbm>>
    tpu.enqueue_dma source(%arg6 : memref<128x128xf32, #tpu.memory_space<vmem>>) target(%dma_start3A_321 : memref<128x128xf32, #tpu.memory_space<hbm>>) target_semaphore(%arg18 : memref<!tpu.dma_semaphore, #tpu.memory_space<semaphore_mem>>)
    %dma_wait3A_322 = arith.constant 7 : i32
    %dma_wait3A_323 = arith.constant 0 : i32
    %dma_wait3A_324 = arith.constant 0 : i32
    %dma_wait3A_325 = tpu.memref_slice %arg2[%dma_wait3A_322, %dma_wait3A_323, %dma_wait3A_324] : memref<12x100000x128xf32, #tpu.memory_space<hbm>> -> memref<1x100000x128xf32, #tpu.memory_space<hbm>>
    %dma_wait3A_326 = tpu.memref_squeeze %dma_wait3A_325 : memref<1x100000x128xf32, #tpu.memory_space<hbm>> -> memref<100000x128xf32, #tpu.memory_space<hbm>>
    %dma_wait3A_327 = arith.constant 0 : i32
    %dma_wait3A_328 = arith.constant 0 : i32
    %dma_wait3A_329 = tpu.memref_slice %dma_wait3A_326[%dma_wait3A_327, %dma_wait3A_328] : memref<100000x128xf32, #tpu.memory_space<hbm>> -> memref<100000x128xf32, #tpu.memory_space<hbm>>
    tpu.wait_indirect_dma semaphore(%arg13 : memref<!tpu.dma_semaphore, #tpu.memory_space<semaphore_mem>>) src(%dma_wait3A_329 : memref<100000x128xf32, #tpu.memory_space<hbm>>) dst(%arg7 : memref<128x128xf32, #tpu.memory_space<vmem>>)
    %dma_start3A_330 = arith.constant 7 : i32
    %dma_start3A_331 = arith.constant 0 : i32
    %dma_start3A_332 = arith.constant 0 : i32
    %dma_start3A_333 = tpu.memref_slice %arg4[%dma_start3A_330, %dma_start3A_331, %dma_start3A_332] : memref<12x4096x128xf32, #tpu.memory_space<hbm>> -> memref<1x4096x128xf32, #tpu.memory_space<hbm>>
    %dma_start3A_334 = tpu.memref_squeeze %dma_start3A_333 : memref<1x4096x128xf32, #tpu.memory_space<hbm>> -> memref<4096x128xf32, #tpu.memory_space<hbm>>
    %dma_start3A_335 = arith.constant 0 : i32
    %dma_start3A_336 = tpu.memref_slice %dma_start3A_334[%mul3A_2, %dma_start3A_335] : memref<4096x128xf32, #tpu.memory_space<hbm>> -> memref<128x128xf32, #tpu.memory_space<hbm>>
    %dma_start3A_337 = arith.constant 0 : i32
    %dma_start3A_338 = arith.constant 0 : i32
    %dma_start3A_339 = tpu.memref_slice %arg4[%dma_start3A_330, %dma_start3A_337, %dma_start3A_338] : memref<12x4096x128xf32, #tpu.memory_space<hbm>> -> memref<1x4096x128xf32, #tpu.memory_space<hbm>>
    %dma_start3A_340 = tpu.memref_squeeze %dma_start3A_339 : memref<1x4096x128xf32, #tpu.memory_space<hbm>> -> memref<4096x128xf32, #tpu.memory_space<hbm>>
    %dma_start3A_341 = arith.constant 0 : i32
    %dma_start3A_342 = tpu.memref_slice %dma_start3A_340[%mul3A_2, %dma_start3A_341] : memref<4096x128xf32, #tpu.memory_space<hbm>> -> memref<128x128xf32, #tpu.memory_space<hbm>>
    tpu.enqueue_dma source(%arg7 : memref<128x128xf32, #tpu.memory_space<vmem>>) target(%dma_start3A_342 : memref<128x128xf32, #tpu.memory_space<hbm>>) target_semaphore(%arg19 : memref<!tpu.dma_semaphore, #tpu.memory_space<semaphore_mem>>)
    %dma_wait3A_343 = arith.constant 8 : i32
    %dma_wait3A_344 = arith.constant 0 : i32
    %dma_wait3A_345 = arith.constant 0 : i32
    %dma_wait3A_346 = tpu.memref_slice %arg2[%dma_wait3A_343, %dma_wait3A_344, %dma_wait3A_345] : memref<12x100000x128xf32, #tpu.memory_space<hbm>> -> memref<1x100000x128xf32, #tpu.memory_space<hbm>>
    %dma_wait3A_347 = tpu.memref_squeeze %dma_wait3A_346 : memref<1x100000x128xf32, #tpu.memory_space<hbm>> -> memref<100000x128xf32, #tpu.memory_space<hbm>>
    %dma_wait3A_348 = arith.constant 0 : i32
    %dma_wait3A_349 = arith.constant 0 : i32
    %dma_wait3A_350 = tpu.memref_slice %dma_wait3A_347[%dma_wait3A_348, %dma_wait3A_349] : memref<100000x128xf32, #tpu.memory_space<hbm>> -> memref<100000x128xf32, #tpu.memory_space<hbm>>
    tpu.wait_indirect_dma semaphore(%arg14 : memref<!tpu.dma_semaphore, #tpu.memory_space<semaphore_mem>>) src(%dma_wait3A_350 : memref<100000x128xf32, #tpu.memory_space<hbm>>) dst(%arg8 : memref<128x128xf32, #tpu.memory_space<vmem>>)
    %dma_start3A_351 = arith.constant 8 : i32
    %dma_start3A_352 = arith.constant 0 : i32
    %dma_start3A_353 = arith.constant 0 : i32
    %dma_start3A_354 = tpu.memref_slice %arg4[%dma_start3A_351, %dma_start3A_352, %dma_start3A_353] : memref<12x4096x128xf32, #tpu.memory_space<hbm>> -> memref<1x4096x128xf32, #tpu.memory_space<hbm>>
    %dma_start3A_355 = tpu.memref_squeeze %dma_start3A_354 : memref<1x4096x128xf32, #tpu.memory_space<hbm>> -> memref<4096x128xf32, #tpu.memory_space<hbm>>
    %dma_start3A_356 = arith.constant 0 : i32
    %dma_start3A_357 = tpu.memref_slice %dma_start3A_355[%mul3A_2, %dma_start3A_356] : memref<4096x128xf32, #tpu.memory_space<hbm>> -> memref<128x128xf32, #tpu.memory_space<hbm>>
    %dma_start3A_358 = arith.constant 0 : i32
    %dma_start3A_359 = arith.constant 0 : i32
    %dma_start3A_360 = tpu.memref_slice %arg4[%dma_start3A_351, %dma_start3A_358, %dma_start3A_359] : memref<12x4096x128xf32, #tpu.memory_space<hbm>> -> memref<1x4096x128xf32, #tpu.memory_space<hbm>>
    %dma_start3A_361 = tpu.memref_squeeze %dma_start3A_360 : memref<1x4096x128xf32, #tpu.memory_space<hbm>> -> memref<4096x128xf32, #tpu.memory_space<hbm>>
    %dma_start3A_362 = arith.constant 0 : i32
    %dma_start3A_363 = tpu.memref_slice %dma_start3A_361[%mul3A_2, %dma_start3A_362] : memref<4096x128xf32, #tpu.memory_space<hbm>> -> memref<128x128xf32, #tpu.memory_space<hbm>>
    tpu.enqueue_dma source(%arg8 : memref<128x128xf32, #tpu.memory_space<vmem>>) target(%dma_start3A_363 : memref<128x128xf32, #tpu.memory_space<hbm>>) target_semaphore(%arg20 : memref<!tpu.dma_semaphore, #tpu.memory_space<semaphore_mem>>)
    %dma_wait3A_364 = arith.constant 9 : i32
    %dma_wait3A_365 = arith.constant 0 : i32
    %dma_wait3A_366 = arith.constant 0 : i32
    %dma_wait3A_367 = tpu.memref_slice %arg2[%dma_wait3A_364, %dma_wait3A_365, %dma_wait3A_366] : memref<12x100000x128xf32, #tpu.memory_space<hbm>> -> memref<1x100000x128xf32, #tpu.memory_space<hbm>>
    %dma_wait3A_368 = tpu.memref_squeeze %dma_wait3A_367 : memref<1x100000x128xf32, #tpu.memory_space<hbm>> -> memref<100000x128xf32, #tpu.memory_space<hbm>>
    %dma_wait3A_369 = arith.constant 0 : i32
    %dma_wait3A_370 = arith.constant 0 : i32
    %dma_wait3A_371 = tpu.memref_slice %dma_wait3A_368[%dma_wait3A_369, %dma_wait3A_370] : memref<100000x128xf32, #tpu.memory_space<hbm>> -> memref<100000x128xf32, #tpu.memory_space<hbm>>
    tpu.wait_indirect_dma semaphore(%arg15 : memref<!tpu.dma_semaphore, #tpu.memory_space<semaphore_mem>>) src(%dma_wait3A_371 : memref<100000x128xf32, #tpu.memory_space<hbm>>) dst(%arg9 : memref<128x128xf32, #tpu.memory_space<vmem>>)
    %dma_start3A_372 = arith.constant 9 : i32
    %dma_start3A_373 = arith.constant 0 : i32
    %dma_start3A_374 = arith.constant 0 : i32
    %dma_start3A_375 = tpu.memref_slice %arg4[%dma_start3A_372, %dma_start3A_373, %dma_start3A_374] : memref<12x4096x128xf32, #tpu.memory_space<hbm>> -> memref<1x4096x128xf32, #tpu.memory_space<hbm>>
    %dma_start3A_376 = tpu.memref_squeeze %dma_start3A_375 : memref<1x4096x128xf32, #tpu.memory_space<hbm>> -> memref<4096x128xf32, #tpu.memory_space<hbm>>
    %dma_start3A_377 = arith.constant 0 : i32
    %dma_start3A_378 = tpu.memref_slice %dma_start3A_376[%mul3A_2, %dma_start3A_377] : memref<4096x128xf32, #tpu.memory_space<hbm>> -> memref<128x128xf32, #tpu.memory_space<hbm>>
    %dma_start3A_379 = arith.constant 0 : i32
    %dma_start3A_380 = arith.constant 0 : i32
    %dma_start3A_381 = tpu.memref_slice %arg4[%dma_start3A_372, %dma_start3A_379, %dma_start3A_380] : memref<12x4096x128xf32, #tpu.memory_space<hbm>> -> memref<1x4096x128xf32, #tpu.memory_space<hbm>>
    %dma_start3A_382 = tpu.memref_squeeze %dma_start3A_381 : memref<1x4096x128xf32, #tpu.memory_space<hbm>> -> memref<4096x128xf32, #tpu.memory_space<hbm>>
    %dma_start3A_383 = arith.constant 0 : i32
    %dma_start3A_384 = tpu.memref_slice %dma_start3A_382[%mul3A_2, %dma_start3A_383] : memref<4096x128xf32, #tpu.memory_space<hbm>> -> memref<128x128xf32, #tpu.memory_space<hbm>>
    tpu.enqueue_dma source(%arg9 : memref<128x128xf32, #tpu.memory_space<vmem>>) target(%dma_start3A_384 : memref<128x128xf32, #tpu.memory_space<hbm>>) target_semaphore(%arg21 : memref<!tpu.dma_semaphore, #tpu.memory_space<semaphore_mem>>)
    %dma_wait3A_385 = arith.constant 10 : i32
    %dma_wait3A_386 = arith.constant 0 : i32
    %dma_wait3A_387 = arith.constant 0 : i32
    %dma_wait3A_388 = tpu.memref_slice %arg2[%dma_wait3A_385, %dma_wait3A_386, %dma_wait3A_387] : memref<12x100000x128xf32, #tpu.memory_space<hbm>> -> memref<1x100000x128xf32, #tpu.memory_space<hbm>>
    %dma_wait3A_389 = tpu.memref_squeeze %dma_wait3A_388 : memref<1x100000x128xf32, #tpu.memory_space<hbm>> -> memref<100000x128xf32, #tpu.memory_space<hbm>>
    %dma_wait3A_390 = arith.constant 0 : i32
    %dma_wait3A_391 = arith.constant 0 : i32
    %dma_wait3A_392 = tpu.memref_slice %dma_wait3A_389[%dma_wait3A_390, %dma_wait3A_391] : memref<100000x128xf32, #tpu.memory_space<hbm>> -> memref<100000x128xf32, #tpu.memory_space<hbm>>
    tpu.wait_indirect_dma semaphore(%arg16 : memref<!tpu.dma_semaphore, #tpu.memory_space<semaphore_mem>>) src(%dma_wait3A_392 : memref<100000x128xf32, #tpu.memory_space<hbm>>) dst(%arg10 : memref<128x128xf32, #tpu.memory_space<vmem>>)
    %dma_start3A_393 = arith.constant 10 : i32
    %dma_start3A_394 = arith.constant 0 : i32
    %dma_start3A_395 = arith.constant 0 : i32
    %dma_start3A_396 = tpu.memref_slice %arg4[%dma_start3A_393, %dma_start3A_394, %dma_start3A_395] : memref<12x4096x128xf32, #tpu.memory_space<hbm>> -> memref<1x4096x128xf32, #tpu.memory_space<hbm>>
    %dma_start3A_397 = tpu.memref_squeeze %dma_start3A_396 : memref<1x4096x128xf32, #tpu.memory_space<hbm>> -> memref<4096x128xf32, #tpu.memory_space<hbm>>
    %dma_start3A_398 = arith.constant 0 : i32
    %dma_start3A_399 = tpu.memref_slice %dma_start3A_397[%mul3A_2, %dma_start3A_398] : memref<4096x128xf32, #tpu.memory_space<hbm>> -> memref<128x128xf32, #tpu.memory_space<hbm>>
    %dma_start3A_400 = arith.constant 0 : i32
    %dma_start3A_401 = arith.constant 0 : i32
    %dma_start3A_402 = tpu.memref_slice %arg4[%dma_start3A_393, %dma_start3A_400, %dma_start3A_401] : memref<12x4096x128xf32, #tpu.memory_space<hbm>> -> memref<1x4096x128xf32, #tpu.memory_space<hbm>>
    %dma_start3A_403 = tpu.memref_squeeze %dma_start3A_402 : memref<1x4096x128xf32, #tpu.memory_space<hbm>> -> memref<4096x128xf32, #tpu.memory_space<hbm>>
    %dma_start3A_404 = arith.constant 0 : i32
    %dma_start3A_405 = tpu.memref_slice %dma_start3A_403[%mul3A_2, %dma_start3A_404] : memref<4096x128xf32, #tpu.memory_space<hbm>> -> memref<128x128xf32, #tpu.memory_space<hbm>>
    tpu.enqueue_dma source(%arg10 : memref<128x128xf32, #tpu.memory_space<vmem>>) target(%dma_start3A_405 : memref<128x128xf32, #tpu.memory_space<hbm>>) target_semaphore(%arg22 : memref<!tpu.dma_semaphore, #tpu.memory_space<semaphore_mem>>)
    %dma_wait3A_406 = arith.constant 11 : i32
    %dma_wait3A_407 = arith.constant 0 : i32
    %dma_wait3A_408 = arith.constant 0 : i32
    %dma_wait3A_409 = tpu.memref_slice %arg2[%dma_wait3A_406, %dma_wait3A_407, %dma_wait3A_408] : memref<12x100000x128xf32, #tpu.memory_space<hbm>> -> memref<1x100000x128xf32, #tpu.memory_space<hbm>>
    %dma_wait3A_410 = tpu.memref_squeeze %dma_wait3A_409 : memref<1x100000x128xf32, #tpu.memory_space<hbm>> -> memref<100000x128xf32, #tpu.memory_space<hbm>>
    %dma_wait3A_411 = arith.constant 0 : i32
    %dma_wait3A_412 = arith.constant 0 : i32
    %dma_wait3A_413 = tpu.memref_slice %dma_wait3A_410[%dma_wait3A_411, %dma_wait3A_412] : memref<100000x128xf32, #tpu.memory_space<hbm>> -> memref<100000x128xf32, #tpu.memory_space<hbm>>
    tpu.wait_indirect_dma semaphore(%arg17 : memref<!tpu.dma_semaphore, #tpu.memory_space<semaphore_mem>>) src(%dma_wait3A_413 : memref<100000x128xf32, #tpu.memory_space<hbm>>) dst(%arg11 : memref<128x128xf32, #tpu.memory_space<vmem>>)
    %dma_start3A_414 = arith.constant 11 : i32
    %dma_start3A_415 = arith.constant 0 : i32
    %dma_start3A_416 = arith.constant 0 : i32
    %dma_start3A_417 = tpu.memref_slice %arg4[%dma_start3A_414, %dma_start3A_415, %dma_start3A_416] : memref<12x4096x128xf32, #tpu.memory_space<hbm>> -> memref<1x4096x128xf32, #tpu.memory_space<hbm>>
    %dma_start3A_418 = tpu.memref_squeeze %dma_start3A_417 : memref<1x4096x128xf32, #tpu.memory_space<hbm>> -> memref<4096x128xf32, #tpu.memory_space<hbm>>
    %dma_start3A_419 = arith.constant 0 : i32
    %dma_start3A_420 = tpu.memref_slice %dma_start3A_418[%mul3A_2, %dma_start3A_419] : memref<4096x128xf32, #tpu.memory_space<hbm>> -> memref<128x128xf32, #tpu.memory_space<hbm>>
    %dma_start3A_421 = arith.constant 0 : i32
    %dma_start3A_422 = arith.constant 0 : i32
    %dma_start3A_423 = tpu.memref_slice %arg4[%dma_start3A_414, %dma_start3A_421, %dma_start3A_422] : memref<12x4096x128xf32, #tpu.memory_space<hbm>> -> memref<1x4096x128xf32, #tpu.memory_space<hbm>>
    %dma_start3A_424 = tpu.memref_squeeze %dma_start3A_423 : memref<1x4096x128xf32, #tpu.memory_space<hbm>> -> memref<4096x128xf32, #tpu.memory_space<hbm>>
    %dma_start3A_425 = arith.constant 0 : i32
    %dma_start3A_426 = tpu.memref_slice %dma_start3A_424[%mul3A_2, %dma_start3A_425] : memref<4096x128xf32, #tpu.memory_space<hbm>> -> memref<128x128xf32, #tpu.memory_space<hbm>>
    tpu.enqueue_dma source(%arg11 : memref<128x128xf32, #tpu.memory_space<vmem>>) target(%dma_start3A_426 : memref<128x128xf32, #tpu.memory_space<hbm>>) target_semaphore(%arg23 : memref<!tpu.dma_semaphore, #tpu.memory_space<semaphore_mem>>)
    %dma_wait3A_427 = arith.constant 6 : i32
    %dma_wait3A_428 = arith.constant 0 : i32
    %dma_wait3A_429 = arith.constant 0 : i32
    %dma_wait3A_430 = tpu.memref_slice %arg4[%dma_wait3A_427, %dma_wait3A_428, %dma_wait3A_429] : memref<12x4096x128xf32, #tpu.memory_space<hbm>> -> memref<1x4096x128xf32, #tpu.memory_space<hbm>>
    %dma_wait3A_431 = tpu.memref_squeeze %dma_wait3A_430 : memref<1x4096x128xf32, #tpu.memory_space<hbm>> -> memref<4096x128xf32, #tpu.memory_space<hbm>>
    %dma_wait3A_432 = arith.constant 0 : i32
    %dma_wait3A_433 = tpu.memref_slice %dma_wait3A_431[%mul3A_2, %dma_wait3A_432] : memref<4096x128xf32, #tpu.memory_space<hbm>> -> memref<128x128xf32, #tpu.memory_space<hbm>>
    %dma_wait3A_434 = arith.constant 0 : i32
    %dma_wait3A_435 = arith.constant 0 : i32
    %dma_wait3A_436 = tpu.memref_slice %arg4[%dma_wait3A_427, %dma_wait3A_434, %dma_wait3A_435] : memref<12x4096x128xf32, #tpu.memory_space<hbm>> -> memref<1x4096x128xf32, #tpu.memory_space<hbm>>
    %dma_wait3A_437 = tpu.memref_squeeze %dma_wait3A_436 : memref<1x4096x128xf32, #tpu.memory_space<hbm>> -> memref<4096x128xf32, #tpu.memory_space<hbm>>
    %dma_wait3A_438 = arith.constant 0 : i32
    %dma_wait3A_439 = tpu.memref_slice %dma_wait3A_437[%mul3A_2, %dma_wait3A_438] : memref<4096x128xf32, #tpu.memory_space<hbm>> -> memref<128x128xf32, #tpu.memory_space<hbm>>
    tpu.wait_dma2 semaphore(%arg18 : memref<!tpu.dma_semaphore, #tpu.memory_space<semaphore_mem>>) src(%arg6 : memref<128x128xf32, #tpu.memory_space<vmem>>) dst(%dma_wait3A_439 : memref<128x128xf32, #tpu.memory_space<hbm>>)
    %dma_wait3A_440 = arith.constant 7 : i32
    %dma_wait3A_441 = arith.constant 0 : i32
    %dma_wait3A_442 = arith.constant 0 : i32
    %dma_wait3A_443 = tpu.memref_slice %arg4[%dma_wait3A_440, %dma_wait3A_441, %dma_wait3A_442] : memref<12x4096x128xf32, #tpu.memory_space<hbm>> -> memref<1x4096x128xf32, #tpu.memory_space<hbm>>
    %dma_wait3A_444 = tpu.memref_squeeze %dma_wait3A_443 : memref<1x4096x128xf32, #tpu.memory_space<hbm>> -> memref<4096x128xf32, #tpu.memory_space<hbm>>
    %dma_wait3A_445 = arith.constant 0 : i32
    %dma_wait3A_446 = tpu.memref_slice %dma_wait3A_444[%mul3A_2, %dma_wait3A_445] : memref<4096x128xf32, #tpu.memory_space<hbm>> -> memref<128x128xf32, #tpu.memory_space<hbm>>
    %dma_wait3A_447 = arith.constant 0 : i32
    %dma_wait3A_448 = arith.constant 0 : i32
    %dma_wait3A_449 = tpu.memref_slice %arg4[%dma_wait3A_440, %dma_wait3A_447, %dma_wait3A_448] : memref<12x4096x128xf32, #tpu.memory_space<hbm>> -> memref<1x4096x128xf32, #tpu.memory_space<hbm>>
    %dma_wait3A_450 = tpu.memref_squeeze %dma_wait3A_449 : memref<1x4096x128xf32, #tpu.memory_space<hbm>> -> memref<4096x128xf32, #tpu.memory_space<hbm>>
    %dma_wait3A_451 = arith.constant 0 : i32
    %dma_wait3A_452 = tpu.memref_slice %dma_wait3A_450[%mul3A_2, %dma_wait3A_451] : memref<4096x128xf32, #tpu.memory_space<hbm>> -> memref<128x128xf32, #tpu.memory_space<hbm>>
    tpu.wait_dma2 semaphore(%arg19 : memref<!tpu.dma_semaphore, #tpu.memory_space<semaphore_mem>>) src(%arg7 : memref<128x128xf32, #tpu.memory_space<vmem>>) dst(%dma_wait3A_452 : memref<128x128xf32, #tpu.memory_space<hbm>>)
    %dma_wait3A_453 = arith.constant 8 : i32
    %dma_wait3A_454 = arith.constant 0 : i32
    %dma_wait3A_455 = arith.constant 0 : i32
    %dma_wait3A_456 = tpu.memref_slice %arg4[%dma_wait3A_453, %dma_wait3A_454, %dma_wait3A_455] : memref<12x4096x128xf32, #tpu.memory_space<hbm>> -> memref<1x4096x128xf32, #tpu.memory_space<hbm>>
    %dma_wait3A_457 = tpu.memref_squeeze %dma_wait3A_456 : memref<1x4096x128xf32, #tpu.memory_space<hbm>> -> memref<4096x128xf32, #tpu.memory_space<hbm>>
    %dma_wait3A_458 = arith.constant 0 : i32
    %dma_wait3A_459 = tpu.memref_slice %dma_wait3A_457[%mul3A_2, %dma_wait3A_458] : memref<4096x128xf32, #tpu.memory_space<hbm>> -> memref<128x128xf32, #tpu.memory_space<hbm>>
    %dma_wait3A_460 = arith.constant 0 : i32
    %dma_wait3A_461 = arith.constant 0 : i32
    %dma_wait3A_462 = tpu.memref_slice %arg4[%dma_wait3A_453, %dma_wait3A_460, %dma_wait3A_461] : memref<12x4096x128xf32, #tpu.memory_space<hbm>> -> memref<1x4096x128xf32, #tpu.memory_space<hbm>>
    %dma_wait3A_463 = tpu.memref_squeeze %dma_wait3A_462 : memref<1x4096x128xf32, #tpu.memory_space<hbm>> -> memref<4096x128xf32, #tpu.memory_space<hbm>>
    %dma_wait3A_464 = arith.constant 0 : i32
    %dma_wait3A_465 = tpu.memref_slice %dma_wait3A_463[%mul3A_2, %dma_wait3A_464] : memref<4096x128xf32, #tpu.memory_space<hbm>> -> memref<128x128xf32, #tpu.memory_space<hbm>>
    tpu.wait_dma2 semaphore(%arg20 : memref<!tpu.dma_semaphore, #tpu.memory_space<semaphore_mem>>) src(%arg8 : memref<128x128xf32, #tpu.memory_space<vmem>>) dst(%dma_wait3A_465 : memref<128x128xf32, #tpu.memory_space<hbm>>)
    %dma_wait3A_466 = arith.constant 9 : i32
    %dma_wait3A_467 = arith.constant 0 : i32
    %dma_wait3A_468 = arith.constant 0 : i32
    %dma_wait3A_469 = tpu.memref_slice %arg4[%dma_wait3A_466, %dma_wait3A_467, %dma_wait3A_468] : memref<12x4096x128xf32, #tpu.memory_space<hbm>> -> memref<1x4096x128xf32, #tpu.memory_space<hbm>>
    %dma_wait3A_470 = tpu.memref_squeeze %dma_wait3A_469 : memref<1x4096x128xf32, #tpu.memory_space<hbm>> -> memref<4096x128xf32, #tpu.memory_space<hbm>>
    %dma_wait3A_471 = arith.constant 0 : i32
    %dma_wait3A_472 = tpu.memref_slice %dma_wait3A_470[%mul3A_2, %dma_wait3A_471] : memref<4096x128xf32, #tpu.memory_space<hbm>> -> memref<128x128xf32, #tpu.memory_space<hbm>>
    %dma_wait3A_473 = arith.constant 0 : i32
    %dma_wait3A_474 = arith.constant 0 : i32
    %dma_wait3A_475 = tpu.memref_slice %arg4[%dma_wait3A_466, %dma_wait3A_473, %dma_wait3A_474] : memref<12x4096x128xf32, #tpu.memory_space<hbm>> -> memref<1x4096x128xf32, #tpu.memory_space<hbm>>
    %dma_wait3A_476 = tpu.memref_squeeze %dma_wait3A_475 : memref<1x4096x128xf32, #tpu.memory_space<hbm>> -> memref<4096x128xf32, #tpu.memory_space<hbm>>
    %dma_wait3A_477 = arith.constant 0 : i32
    %dma_wait3A_478 = tpu.memref_slice %dma_wait3A_476[%mul3A_2, %dma_wait3A_477] : memref<4096x128xf32, #tpu.memory_space<hbm>> -> memref<128x128xf32, #tpu.memory_space<hbm>>
    tpu.wait_dma2 semaphore(%arg21 : memref<!tpu.dma_semaphore, #tpu.memory_space<semaphore_mem>>) src(%arg9 : memref<128x128xf32, #tpu.memory_space<vmem>>) dst(%dma_wait3A_478 : memref<128x128xf32, #tpu.memory_space<hbm>>)
    %dma_wait3A_479 = arith.constant 10 : i32
    %dma_wait3A_480 = arith.constant 0 : i32
    %dma_wait3A_481 = arith.constant 0 : i32
    %dma_wait3A_482 = tpu.memref_slice %arg4[%dma_wait3A_479, %dma_wait3A_480, %dma_wait3A_481] : memref<12x4096x128xf32, #tpu.memory_space<hbm>> -> memref<1x4096x128xf32, #tpu.memory_space<hbm>>
    %dma_wait3A_483 = tpu.memref_squeeze %dma_wait3A_482 : memref<1x4096x128xf32, #tpu.memory_space<hbm>> -> memref<4096x128xf32, #tpu.memory_space<hbm>>
    %dma_wait3A_484 = arith.constant 0 : i32
    %dma_wait3A_485 = tpu.memref_slice %dma_wait3A_483[%mul3A_2, %dma_wait3A_484] : memref<4096x128xf32, #tpu.memory_space<hbm>> -> memref<128x128xf32, #tpu.memory_space<hbm>>
    %dma_wait3A_486 = arith.constant 0 : i32
    %dma_wait3A_487 = arith.constant 0 : i32
    %dma_wait3A_488 = tpu.memref_slice %arg4[%dma_wait3A_479, %dma_wait3A_486, %dma_wait3A_487] : memref<12x4096x128xf32, #tpu.memory_space<hbm>> -> memref<1x4096x128xf32, #tpu.memory_space<hbm>>
    %dma_wait3A_489 = tpu.memref_squeeze %dma_wait3A_488 : memref<1x4096x128xf32, #tpu.memory_space<hbm>> -> memref<4096x128xf32, #tpu.memory_space<hbm>>
    %dma_wait3A_490 = arith.constant 0 : i32
    %dma_wait3A_491 = tpu.memref_slice %dma_wait3A_489[%mul3A_2, %dma_wait3A_490] : memref<4096x128xf32, #tpu.memory_space<hbm>> -> memref<128x128xf32, #tpu.memory_space<hbm>>
    tpu.wait_dma2 semaphore(%arg22 : memref<!tpu.dma_semaphore, #tpu.memory_space<semaphore_mem>>) src(%arg10 : memref<128x128xf32, #tpu.memory_space<vmem>>) dst(%dma_wait3A_491 : memref<128x128xf32, #tpu.memory_space<hbm>>)
    %dma_wait3A_492 = arith.constant 11 : i32
    %dma_wait3A_493 = arith.constant 0 : i32
    %dma_wait3A_494 = arith.constant 0 : i32
    %dma_wait3A_495 = tpu.memref_slice %arg4[%dma_wait3A_492, %dma_wait3A_493, %dma_wait3A_494] : memref<12x4096x128xf32, #tpu.memory_space<hbm>> -> memref<1x4096x128xf32, #tpu.memory_space<hbm>>
    %dma_wait3A_496 = tpu.memref_squeeze %dma_wait3A_495 : memref<1x4096x128xf32, #tpu.memory_space<hbm>> -> memref<4096x128xf32, #tpu.memory_space<hbm>>
    %dma_wait3A_497 = arith.constant 0 : i32
    %dma_wait3A_498 = tpu.memref_slice %dma_wait3A_496[%mul3A_2, %dma_wait3A_497] : memref<4096x128xf32, #tpu.memory_space<hbm>> -> memref<128x128xf32, #tpu.memory_space<hbm>>
    %dma_wait3A_499 = arith.constant 0 : i32
    %dma_wait3A_500 = arith.constant 0 : i32
    %dma_wait3A_501 = tpu.memref_slice %arg4[%dma_wait3A_492, %dma_wait3A_499, %dma_wait3A_500] : memref<12x4096x128xf32, #tpu.memory_space<hbm>> -> memref<1x4096x128xf32, #tpu.memory_space<hbm>>
    %dma_wait3A_502 = tpu.memref_squeeze %dma_wait3A_501 : memref<1x4096x128xf32, #tpu.memory_space<hbm>> -> memref<4096x128xf32, #tpu.memory_space<hbm>>
    %dma_wait3A_503 = arith.constant 0 : i32
    %dma_wait3A_504 = tpu.memref_slice %dma_wait3A_502[%mul3A_2, %dma_wait3A_503] : memref<4096x128xf32, #tpu.memory_space<hbm>> -> memref<128x128xf32, #tpu.memory_space<hbm>>
    tpu.wait_dma2 semaphore(%arg23 : memref<!tpu.dma_semaphore, #tpu.memory_space<semaphore_mem>>) src(%arg11 : memref<128x128xf32, #tpu.memory_space<vmem>>) dst(%dma_wait3A_504 : memref<128x128xf32, #tpu.memory_space<hbm>>)
    return
  }
}

</mosaic_0001>

<sc_bundles>
// kernel: kernel.3.cloned.1.call-start
scs
__scs_entry_jumppad:
0x0: {  	(pc) =	sbr.rel $0x88, $3  }
0x1: {  	(tag) =	ssettag $0x0;
	lr =	simm.s32 $0x1  }
0x2: {  	[smem:$0x3F9F] =	sst lr;
	_ =	strace $0xD0000000  }
0x3: {  	_ = 	snop  }
0x4: {  	_ = 	snop  }
0x5: {  	_ = 	snop  }
0x6: {  	_ = 	snop  }
0x7: {  	_ = 	snop  }
__scs_overlays_trampoline_lowered:
0x8: {  	[smem:$0x3FAE] =	sst s0  }
0x9: {  	[smem:$0x3FAF] =	sst s1  }
0xa: {  	[smem:$0x3FB0] =	sst s2  }
0xb: {  	[smem:$0x3FB1] =	sst s3  }
0xc: {  	[smem:$0x3FB2] =	sst s4  }
0xd: {  	[smem:$0x3FB3] =	sst s5  }
0xe: {  	[smem:$0x3FB4] =	sst s6  }
0xf: {  	[smem:$0x3FB5] =	sst s7  }
0x10: {  	[smem:$0x3FB6] =	sst s8  }
0x11: {  	[smem:$0x3FB7] =	sst s9;
	s0 =	simm.s32 @!p0 $0x0  }
0x12: {  	s1 =	sld [smem:$0x3F9D];
	s0 =	simm.s32 @p0 $0x1  }
0x13: {  	[smem:$0x3FB8] =	sst s0;
	s0 =	simm.s32 @!p1 $0x0  }
0x14: {  	s2 =	sld [smem:$0x3F9C];
	s0 =	simm.s32 @p1 $0x1  }
0x15: {  	[smem:$0x3FB9] =	sst s0;
	s0 =	simm.s32 @!p2 $0x0  }
0x16: {  	s3 =	sld [smem:$0x3FDB];
	s0 =	simm.s32 @p2 $0x1  }
0x17: {  	s4 =	simm.s32 $0x1BF5;
	[smem:$0x3FBB] =	sst s0  }
0x18: {  	s0 =	sld [smem:$0x3F9E];
	_ =	swait.ge [sflag:s4], $0x0  }
0x19: {  	s7 =	sld [smem:$0x3F9F]  }
0x1a: {  	s8 =	sadd.s32 $0xFFFFE003, lr  }
0x1b: {  	s9 =	sadd.s32 $0xFFFFFEF7, lr;
	s5 =	simm.s32 $0xFFFFFFFF;
	p2 =	slt.u32 s8, $0xFFFFF086  }
0x1c: {  	p1 =	slt.u32 s9, $0xF7A;
	s5 =	simm.s32 @!p2 $0x0  }
0x1d: {  	s5 =	simm.s32 @p1 $0x1;
	p0 =	seq.s32 s7, s2  }
0x1e: {  	s7 =	smul.u32 @!p0 $0xF7A, s2;
	p2 =	seq.s32 @!p0 s5, $0x0  }
0x1f: {  	s9 =	smul.u32 $0xF7A, s1;
	s8 =	simm.s32 @!p0 $0x1BF5;
	p2 =	por !p2, p0  }
0x20: {  	[sflag:s8] =	ssyncset.s32 @!p0 $0xFFFFF086;
	s6 =	sadd.s32 @!p0 s3, s7;
	s7 =	simm.s32 @!p0 $0x108  }
0x21: {  	s3 =	sadd.s32 s3, s9;
	s6 =	sadd.s32 @!p0 $0x88, s6;
	s7 =	simm.s32 @p2 $0x1082  }
0x22: {  	[simem:s7], [sflag:s8] =	dma.local @!p0 [hbm:s6], $0xF7A  }
0x23: {  	s9 =	sor.u32 $0xD0000000, s2;
	s6 =	simm.s32 $0x108;
	_ =	swait.ge @!p0 [sflag:s8], $0x0  }
0x24: {  	s3 =	sadd.s32 $0x88, s3;
	s6 =	simm.s32 @!p1 $0x1082;
	[sflag:s4] =	ssyncset.s32 $0xFFFFF086  }
0x25: {  	[simem:s6], [sflag:s4] =	dma.local [hbm:s3], $0xF7A  }
0x26: {  	[smem:$0x3F9F] =	sst s1;
	(tag) =	ssettag s2;
	_ =	strace s9  }
0x27: {  	s1 =	sld [smem:$0x3FAF]  }
0x28: {  	s2 =	sld [smem:$0x3FB0]  }
0x29: {  	s4 =	sld [smem:$0x3FB2]  }
0x2a: {  	p0 =	seq.s32 s5, $0x0;
	s5 =	sld [smem:$0x3FB3]  }
0x2b: {  	s6 =	sld [smem:$0x3FB4]  }
0x2c: {  	s7 =	sld [smem:$0x3FB5]  }
0x2d: {  	s3 =	simm.s32 $0x108;
	s8 =	sld [smem:$0x3FB6]  }
0x2e: {  	s3 =	simm.s32 @!p0 $0x1082;
	s9 =	sld [smem:$0x3FB7]  }
0x2f: {  	lr =	sadd.s32 s0, s3;
	s0 =	sld [smem:$0x3FAE]  }
0x30: {  	s3 =	sld [smem:$0x3FB1]  }
0x31: {  	[smem:$0x3FBA] =	sst s10  }
0x32: {  	s10 =	sld [smem:$0x3FB8];
	_ =	sdelay $0x3  }
0x33: {  	p0 =	seq.s32 s10, $0x1;
	s10 =	sld [smem:$0x3FBA];
	_ =	sdelay $0x3  }
0x34: {  	[smem:$0x3FBA] =	sst s10  }
0x35: {  	s10 =	sld [smem:$0x3FB9];
	_ =	sdelay $0x3  }
0x36: {  	p1 =	seq.s32 s10, $0x1;
	s10 =	sld [smem:$0x3FBA];
	_ =	sdelay $0x3  }
0x37: {  	[smem:$0x3FBA] =	sst s10  }
0x38: {  	s10 =	sld [smem:$0x3FBB]  }
0x39: {  	_ = 	snop;
	(pc) =	sbr.ind lr, $3  }
0x3a: {  	_ = 	snop  }
0x3b: {  	_ = 	snop  }
0x3c: {  	p2 =	seq.s32 s10, $0x1;
	s10 =	sld [smem:$0x3FBA]  }
0x3d: {  	_ =	shalt  }
0x3e: {  	_ =	shalt  }
0x3f: {  	_ =	shalt  }
0x40: {  	_ =	shalt  }
0x41: {  	_ =	shalt  }
0x42: {  	_ =	shalt  }
0x43: {  	_ =	shalt  }
0x44: {  	_ =	shalt  }
0x45: {  	_ =	shalt  }
0x46: {  	_ =	shalt  }
0x47: {  	_ =	shalt  }
0x48: {  	_ =	shalt  }
0x49: {  	_ =	shalt  }
0x4a: {  	_ =	shalt  }
0x4b: {  	_ =	shalt  }
0x4c: {  	_ =	shalt  }
0x4d: {  	_ =	shalt  }
0x4e: {  	_ =	shalt  }
0x4f: {  	_ =	shalt  }
0x50: {  	_ =	shalt  }
0x51: {  	_ =	shalt  }
0x52: {  	_ =	shalt  }
0x53: {  	_ =	shalt  }
0x54: {  	_ =	shalt  }
0x55: {  	_ =	shalt  }
0x56: {  	_ =	shalt  }
0x57: {  	_ =	shalt  }
0x58: {  	_ =	shalt  }
0x59: {  	_ =	shalt  }
0x5a: {  	_ =	shalt  }
0x5b: {  	_ =	shalt  }
0x5c: {  	_ =	shalt  }
0x5d: {  	_ =	shalt  }
0x5e: {  	_ =	shalt  }
0x5f: {  	_ =	shalt  }
0x60: {  	_ =	shalt  }
0x61: {  	_ =	shalt  }
0x62: {  	_ =	shalt  }
0x63: {  	_ =	shalt  }
0x64: {  	_ =	shalt  }
0x65: {  	_ =	shalt  }
0x66: {  	_ =	shalt  }
0x67: {  	_ =	shalt  }
0x68: {  	_ =	shalt  }
0x69: {  	_ =	shalt  }
0x6a: {  	_ =	shalt  }
0x6b: {  	_ =	shalt  }
0x6c: {  	_ =	shalt  }
0x6d: {  	_ =	shalt  }
0x6e: {  	_ =	shalt  }
0x6f: {  	_ =	shalt  }
0x70: {  	_ =	shalt  }
0x71: {  	_ =	shalt  }
0x72: {  	_ =	shalt  }
0x73: {  	_ =	shalt  }
0x74: {  	_ =	shalt  }
0x75: {  	_ =	shalt  }
0x76: {  	_ =	shalt  }
0x77: {  	_ =	shalt  }
0x78: {  	_ =	shalt  }
0x79: {  	_ =	shalt  }
0x7a: {  	_ =	shalt  }
0x7b: {  	_ =	shalt  }
0x7c: {  	_ =	shalt  }
0x7d: {  	_ =	shalt  }
0x7e: {  	_ =	shalt  }
0x7f: {  	_ =	shalt  }
0x80: {  	_ =	shalt  }
0x81: {  	_ =	shalt  }
0x82: {  	_ =	shalt  }
0x83: {  	_ =	shalt  }
0x84: {  	_ =	shalt  }
0x85: {  	_ =	shalt  }
0x86: {  	_ =	shalt  }
0x87: {  	_ =	shalt  }
.Lfunc_end0:
.L_simem_size_0:
called_computation_lowered:
.L_overlay_start_0:
0x88: {  	s2 =	sld [smem:$0x3FD9]  }
0x89: {  	s3 =	sld [smem:$0x3FFE];
	_ =	sdelay $0x1  }
0x8a: {  	s1 =	srdreg.scid  }
0x8b: {  	s0 =	sand.u32 $0x1, s1  }
0x8c: {  	s18 =	sshll.u32 s0, $0xA;
	s2 =	sadd.s32 s3, s2  }
0x8d: {  	s2 =	sadd.s32 s2, s18  }
0x8e: {  	[smem:$0x3FC6] =	sst s2  }
0x8f: {  	_ = 	snop  }
0x90: {  	s2 =	sld [smem:$0x3FC9]  }
0x91: {  	s19 =	sld [smem:$0x3FC8]  }
0x92: {  	s4 =	sld [smem:$0x3FD0];
	(tm) =	ssettm $0x1  }
0x93: {  	s5 =	sld [smem:$0x3FFB];
	_ =	sdelay $0x3  }
0x94: {  	_ =	strace s5  }
0x95: {  	s5 =	sld [smem:$0x3FFC];
	_ =	sdelay $0x3  }
0x96: {  	_ =	strace s5  }
0x97: {  	s5 =	sld [smem:$0x3FFD];
	_ =	sdelay $0x3  }
0x98: {  	_ =	strace s5  }
0x99: {  	_ =	strace $0x8FFFFFFF  }
0x9a: {  	s20 =	sld [smem:$0x3FDB];
	_ =	sdelay $0x1  }
0x9b: {  	s6 =	simm.s32 $_scs_section_size  }
0x9c: {  	s7 =	simm.s32 $_size__tile_overlayer_lowered;
	s8 =	simm.s32 $_tile_overlayer_lowered  }
0x9d: {  	s23 =	simm.s32 $0x1BFF;
	s22 =	sshll.u32 s8, $0x1;
	s5 =	sadd.s32 s6, s20  }
0x9e: {  	s9 =	simm.s32 $0x0;
	s21 =	sshll.u32 s7, $0x1;
	s7 =	sadd.s32 s22, s5  }
0x9f: {  	[timem:s9], [sflag:s23] =	dma.local [hbm:s7], s21  }
0xa0: {  	_ =	swait.ge [sflag:s23], s21  }
0xa1: {  	s6 =	ssub.s32 $0x0, s21;
	[sflag:s23] =	ssyncset.done $0x0  }
0xa2: {  	[sflag:s23] =	ssyncadd.s32 s6;
	_ =	sdelay $0x1  }
0xa3: {  	s24 =	simm.s32 $0x1B8B  }
0xa4: {  	_ =	swait.ge [sflag:s24], $0x1  }
0xa5: {  	[sflag:s24] =	ssyncset.done $0x0  }
0xa6: {  	s25 =	simm.s32 $0x1B8E;
	[sflag:s24] =	ssyncadd.s32 $0xFFFFFFFF  }
0xa7: {  	s26 =	simm.s32 $execute0_lowered;
	[smem:$0x3FD2] =	sst s25  }
0xa8: {  	s6 =	sshll.u32 s26, $0x1;
	_ =	strace $0x80000046;
	[dreg:$0x1] =	wrdreg $0xFFFFFFFF  }
0xa9: {  	s28 =	simm.s32 $_size_execute0_lowered;
	s5 =	sadd.s32 s5, s6;
	[dreg:$0x0] =	wrdreg $0x0  }
0xaa: {  	s6 =	sshll.u32 s28, $0x1;
	[dreg:$0x2] =	wrdreg s5  }
0xab: {  	[dreg:$0x3] =	wrdreg s6  }
0xac: {  	[dreg:$0x4] =	wrdreg $0xC0  }
0xad: {  	_ =	task [dreg:s9], $0x5FFFF  }
0xae: {  	[dreg:$0x1] =	wrdreg $0xFFFFFFFF  }
0xaf: {  	[dreg:$0x0] =	wrdreg $0x60  }
0xb0: {  	[dreg:$0x2] =	wrdreg s19  }
0xb1: {  	[dreg:$0x3] =	wrdreg s2  }
0xb2: {  	[dreg:$0x4] =	wrdreg s4  }
0xb3: {  	[dreg:$0x5] =	wrdreg $0x9  }
0xb4: {  	_ =	task.clear_ibuf [dreg:s9], $0x6FFFF;
	_ =	strace $0x90000046  }
0xb5: {  	s29 =	simm.s32 $0x9;
	_ =	strace $0x80000048  }
0xb6: {  	_ =	swait.ge [sflag:s29], $0x1  }
0xb7: {  	[sflag:s29] =	ssyncadd.s32 $0xFFFFFFFF  }
0xb8: {  	_ =	strace $0x90000048  }
0xb9: {  	_ =	sfence  }
0xba: {  	s30 =	sld [smem:$0x0];
	_ =	sdelay $0x2  }
0xbb: {  	s31 =	sshll.u32 s1, $0xD;
	s1 =	sshrl.u32 s1, $0x2  }
0xbc: {  	s3 =	sand.u32 $0x4000, s31;
	s1 =	sadd.s32 s1, s30  }
0xbd: {  	s0 =	sor.u32 s3, s0;
	s1 =	sshll.u32 s1, $0x11  }
0xbe: {  	s0 =	sor.u32 s1, s0  }
0xbf: {  	s0 =	sadd.s32 $0x8F2B, s0  }
0xc0: {  	[sflag:s0] =	ssyncadd.remote.s32 $0x1  }
0xc1: {  	_ =	sfence.sel $0xFFFF  }
0xc2: {  	[dreg:$0x0] =	wrdreg $0xFFFFFFFF;
	(pc) =	sbr.abs _section_cstart, $3  }
0xc3: {  	[dreg:$0x1] =	wrdreg $0xFFFFFFFF  }
0xc4: {  	_ =	task.clear_ibuf [dreg:s9], $0x2FFFF;
	_ =	strace $0x9FFFFFFF  }
0xc5: {  	(tm) =	ssettm $0x7FFFFFFF  }
tec
execute0_lowered:
.L_overlay_start_1:
0x0: {  	(tag) =	ssettag $0x1  }
0x1: {  	s6 =	rddreg [dreg:$0x0]  }
0x2: {  	s0 =	srdreg.scid;
	s1 =	rddreg [dreg:$0x1]  }
0x3: {  	s22 =	stileid.u32;
	s3 =	rddreg [dreg:$0x2];
	s2 =	simm.s32 $0x0  }
0x4: {  	s31 =	simm.s32 $0xD;
	s11 =	simm.s32 $0x4080;
	s8 =	simm.s32 $0x8080  }
0x5: {  	s7 =	simm.s32 $0xC080;
	p0 =	por $0x0, $0x0;
	[smem:$0x7FF] =	sst s2  }
0x6: {  	s0 =	sand.u32 $0x1, s0;
	s13 =	sadd.s32 $0x186A00, s6;
	s14 =	sadd.s32 $0x30D400, s6  }
0x7: {  	s4 =	sshll.u32 s22, $0x8;
	s15 =	sadd.s32 $0x493E00, s6;
	s16 =	sadd.s32 $0x61A800, s6  }
0x8: {  	s17 =	sadd.s32 $0x7A1200, s6;
	_ =	strace $0x80000047;
	[dreg:$0x5] =	wrdreg s13  }
0x9: {  	s20 =	sadd.s32 $0x927C00, s6;
	s21 =	sadd.s32 $0x10000, s3;
	[dreg:$0x6] =	wrdreg s14  }
0xa: {  	s24 =	sadd.s32 $0xAAE600, s6;
	s25 =	sadd.s32 $0x20000, s3;
	[dreg:$0x7] =	wrdreg s15  }
0xb: {  	s10 =	sadd.s32 $0x30000, s3;
	s12 =	sadd.s32 $0x40000, s3;
	[dreg:$0x8] =	wrdreg s16  }
0xc: {  	s23 =	sadd.s32 $0x90000, s3;
	s26 =	sadd.s32 $0xB0000, s3;
	[dreg:$0x9] =	wrdreg s17  }
0xd: {  	s5 =	sshll.u32 s0, $0x7;
	s0 =	ssub.s32 $0x2, s0;
	[dreg:$0xb] =	wrdreg s20  }
0xe: {  	[dreg:$0xc] =	wrdreg s24;
	s17 =	sadd.s32 $0xC35000, s6;
	s13 =	sadd.s32 $0x50000, s3  }
0xf: {  	s20 =	sadd.s32 $0x10C8E00, s6;
	s15 =	sadd.s32 $0x60000, s3;
	s24 =	sadd.s32 $0xA0000, s3  }
0x10: {  	s14 =	simm.s32 $0x80;
	s16 =	simm.s32 $0x1;
	[dreg:$0xd] =	wrdreg s17  }
0x11: {  	s4 =	sor.u32 s5, s4;
	s18 =	sshrl.u32 s0, $0x1;
	[dreg:$0x10] =	wrdreg s20  }
0x12: {  	s20 =	sadd.s32 $0x80000, s3;
	s17 =	simm.s32 $0x2;
	s5 =	sshrl.u32 s4, $0x3  }
0x13: {  	s9 =	sshll.u32 s4, $0x4;
	s0 =	ssub.s32 s0, s18;
	s18 =	sadd.s32 $0xDBBA00, s6  }
0x14: {  	s4 =	simm.s32 $0x14080;
	s1 =	sadd.s32 s1, s5;
	s19 =	sadd.s32 s3, s9  }
0x15: {  	[dreg:$0xe] =	wrdreg s18;
	s18 =	sadd.s32 $0x70000, s3;
	s0 =	smax.u32 s0, $0x1  }
0x16: {  	s3 =	simm.s32 $0x7;
	s5 =	simm.s32 $0x8;
	s30 =	sadd.s32 s9, s12  }
0x17: {  	s29 =	sadd.s32 s9, s13;
	s28 =	sadd.s32 s9, s15;
	s15 =	sadd.s32 s9, s26  }
0x18: {  	s26 =	simm.s32 $0x4;
	s13 =	simm.s32 $0xA;
	[dreg:$0x4] =	wrdreg s1  }
0x19: {  	s12 =	simm.s32 $0xB;
	[dreg:$0xa] =	wrdreg s19;
	s19 =	sadd.s32 $0xF42400, s6  }
0x1a: {  	s6 =	simm.s32 $0x10080;
	s1 =	sadd.s32 s9, s21;
	[dreg:$0xf] =	wrdreg s19  }
0x1b: {  	s21 =	sadd.s32 s9, s25;
	p1 =	sne.s32 s0, $0x1;
	[dreg:$0x11] =	wrdreg s1  }
.Ltmp0:
0x1c: {  	s25 =	sadd.s32 s9, s10;
	[dreg:$0x12] =	wrdreg s21;
	(pc) =	sbr.rel @!p1 .LBB2_1-.Ltmp0, $4  }
0x1d: {  	s10 =	simm.s32 $0xC;
	[dreg:$0x13] =	wrdreg s25;
	s19 =	simm.s32 $0x3  }
0x1e: {  	s25 =	sadd.s32 s9, s18;
	s21 =	sadd.s32 s9, s20;
	s20 =	sadd.s32 s9, s23  }
0x1f: {  	s18 =	sadd.s32 s9, s24;
	s9 =	simm.s32 $0x9;
	s1 =	sadd.s32 $0xFFFFFFFF, s0  }
0x20: {  	s24 =	simm.s32 $0x5;
	s23 =	simm.s32 $0x6;
	s0 =	rddreg [dreg:$0x4]  }
0x21: {  	[tilespmem:s2], [sflag:$0xD] =	stream.linear.gather [hbm4b:s0+s2], $0x80, $0x38;
	[tilespmem:$0x18080] =	vst v63  }
0x22: {  	_ =	swait.ge [sflag:s31], $0x80  }
0x23: {  	[sflag:s31] =	ssyncset.done $0x0  }
0x24: {  	[sflag:s31] =	ssyncadd.s32 $0xFFFFFF80  }
0x25: {  	s22 =	smov.u32 s1;
	s1 =	rddreg [dreg:$0x0]  }
0x26: {  	[tilespmem:s14], [sflag:$0x1] =	stream.indirect.gather [hbm4b:s1+s14], $0x80, s2, s14, $0xb8;
	[tilespmem:$0x18080] =	vst v63  }
0x27: {  	s0 =	rddreg [dreg:$0x5]  }
0x28: {  	[tilespmem:s11], [sflag:$0x2] =	stream.indirect.gather [hbm4b:s0+s14], $0x80, s2, s14, $0xb8;
	[tilespmem:$0x18080] =	vst v63  }
0x29: {  	s1 =	rddreg [dreg:$0x6]  }
0x2a: {  	[tilespmem:s8], [sflag:$0x3] =	stream.indirect.gather [hbm4b:s1+s14], $0x80, s2, s14, $0xb8;
	[tilespmem:$0x18080] =	vst v63  }
0x2b: {  	s0 =	rddreg [dreg:$0x7]  }
0x2c: {  	[tilespmem:s7], [sflag:$0x4] =	stream.indirect.gather [hbm4b:s0+s14], $0x80, s2, s14, $0xb8;
	[tilespmem:$0x18080] =	vst v63  }
0x2d: {  	s1 =	rddreg [dreg:$0x8]  }
0x2e: {  	[tilespmem:s6], [sflag:$0x5] =	stream.indirect.gather [hbm4b:s1+s14], $0x80, s2, s14, $0xb8;
	[tilespmem:$0x18080] =	vst v63  }
0x2f: {  	s0 =	rddreg [dreg:$0x9]  }
0x30: {  	[tilespmem:s4], [sflag:$0x6] =	stream.indirect.gather [hbm4b:s0+s14], $0x80, s2, s14, $0xb8;
	[tilespmem:$0x18080] =	vst v63  }
0x31: {  	_ =	swait.ge [sflag:s16], $0x4000  }
0x32: {  	[sflag:s16] =	ssyncset.done $0x0  }
0x33: {  	s1 =	rddreg [dreg:$0xa];
	[sflag:s16] =	ssyncadd.s32 $0xFFFFC000  }
0x34: {  	[hbm4b:s1+s2] =	stream.linear.scatter [tilespmem:s14], [sflag:$0x7], $0x4000, $0x38;
	[tilespmem:$0x18080] =	vst v63  }
0x35: {  	_ =	swait.ge [sflag:s3], $0x4000  }
0x36: {  	[sflag:s3] =	ssyncset.done $0x0  }
0x37: {  	s1 =	rddreg [dreg:$0xb];
	[sflag:s3] =	ssyncadd.s32 $0xFFFFC000  }
0x38: {  	[tilespmem:s14], [sflag:$0x1] =	stream.indirect.gather [hbm4b:s1+s14], $0x80, s2, s14, $0xb8;
	[tilespmem:$0x18080] =	vst v63  }
0x39: {  	_ =	swait.ge [sflag:s17], $0x4000  }
0x3a: {  	[sflag:s17] =	ssyncset.done $0x0  }
0x3b: {  	s1 =	rddreg [dreg:$0x11];
	[sflag:s17] =	ssyncadd.s32 $0xFFFFC000  }
0x3c: {  	[hbm4b:s1+s2] =	stream.linear.scatter [tilespmem:s11], [sflag:$0x8], $0x4000, $0x38;
	[tilespmem:$0x18080] =	vst v63  }
0x3d: {  	_ =	swait.ge [sflag:s5], $0x4000  }
0x3e: {  	[sflag:s5] =	ssyncset.done $0x0  }
0x3f: {  	s1 =	rddreg [dreg:$0xc];
	[sflag:s5] =	ssyncadd.s32 $0xFFFFC000  }
0x40: {  	[tilespmem:s11], [sflag:$0x2] =	stream.indirect.gather [hbm4b:s1+s14], $0x80, s2, s14, $0xb8;
	[tilespmem:$0x18080] =	vst v63  }
0x41: {  	_ =	swait.ge [sflag:s19], $0x4000  }
0x42: {  	[sflag:s19] =	ssyncset.done $0x0  }
0x43: {  	s1 =	rddreg [dreg:$0x12];
	[sflag:s19] =	ssyncadd.s32 $0xFFFFC000  }
0x44: {  	[hbm4b:s1+s2] =	stream.linear.scatter [tilespmem:s8], [sflag:$0x9], $0x4000, $0x38;
	[tilespmem:$0x18080] =	vst v63  }
0x45: {  	_ =	swait.ge [sflag:s9], $0x4000  }
0x46: {  	[sflag:s9] =	ssyncset.done $0x0  }
0x47: {  	s1 =	rddreg [dreg:$0xd];
	[sflag:s9] =	ssyncadd.s32 $0xFFFFC000  }
0x48: {  	[tilespmem:s8], [sflag:$0x3] =	stream.indirect.gather [hbm4b:s1+s14], $0x80, s2, s14, $0xb8;
	[tilespmem:$0x18080] =	vst v63  }
0x49: {  	_ =	swait.ge [sflag:s26], $0x4000  }
0x4a: {  	[sflag:s26] =	ssyncset.done $0x0  }
0x4b: {  	s1 =	rddreg [dreg:$0x13];
	[sflag:s26] =	ssyncadd.s32 $0xFFFFC000  }
0x4c: {  	[hbm4b:s1+s2] =	stream.linear.scatter [tilespmem:s7], [sflag:$0xA], $0x4000, $0x38;
	[tilespmem:$0x18080] =	vst v63  }
0x4d: {  	_ =	swait.ge [sflag:s13], $0x4000  }
0x4e: {  	[sflag:s13] =	ssyncset.done $0x0  }
0x4f: {  	s1 =	rddreg [dreg:$0xe];
	[sflag:s13] =	ssyncadd.s32 $0xFFFFC000  }
0x50: {  	[tilespmem:s7], [sflag:$0x4] =	stream.indirect.gather [hbm4b:s1+s14], $0x80, s2, s14, $0xb8;
	[tilespmem:$0x18080] =	vst v63  }
0x51: {  	_ =	swait.ge [sflag:s24], $0x4000  }
0x52: {  	[sflag:s24] =	ssyncset.done $0x0  }
0x53: {  	[sflag:s24] =	ssyncadd.s32 $0xFFFFC000  }
0x54: {  	[hbm4b:s30+s2] =	stream.linear.scatter [tilespmem:s6], [sflag:$0xB], $0x4000, $0x38;
	[tilespmem:$0x18080] =	vst v63  }
0x55: {  	_ =	swait.ge [sflag:s12], $0x4000  }
0x56: {  	[sflag:s12] =	ssyncset.done $0x0  }
0x57: {  	s1 =	rddreg [dreg:$0xf];
	[sflag:s12] =	ssyncadd.s32 $0xFFFFC000  }
0x58: {  	[tilespmem:s6], [sflag:$0x5] =	stream.indirect.gather [hbm4b:s1+s14], $0x80, s2, s14, $0xb8;
	[tilespmem:$0x18080] =	vst v63  }
0x59: {  	_ =	swait.ge [sflag:s23], $0x4000  }
0x5a: {  	[sflag:s23] =	ssyncset.done $0x0  }
0x5b: {  	[sflag:s23] =	ssyncadd.s32 $0xFFFFC000  }
0x5c: {  	[hbm4b:s29+s2] =	stream.linear.scatter [tilespmem:s4], [sflag:$0xC], $0x4000, $0x38;
	[tilespmem:$0x18080] =	vst v63  }
0x5d: {  	_ =	swait.ge [sflag:s10], $0x4000  }
0x5e: {  	[sflag:s10] =	ssyncset.done $0x0  }
0x5f: {  	s1 =	rddreg [dreg:$0x10];
	[sflag:s10] =	ssyncadd.s32 $0xFFFFC000  }
0x60: {  	[tilespmem:s4], [sflag:$0x6] =	stream.indirect.gather [hbm4b:s1+s14], $0x80, s2, s14, $0xb8;
	[tilespmem:$0x18080] =	vst v63  }
0x61: {  	_ =	swait.ge [sflag:s16], $0x4000  }
0x62: {  	[sflag:s16] =	ssyncset.done $0x0  }
0x63: {  	[sflag:s16] =	ssyncadd.s32 $0xFFFFC000  }
0x64: {  	[hbm4b:s28+s2] =	stream.linear.scatter [tilespmem:s14], [sflag:$0x7], $0x4000, $0x38;
	[tilespmem:$0x18080] =	vst v63  }
0x65: {  	_ =	swait.ge [sflag:s17], $0x4000  }
0x66: {  	[sflag:s17] =	ssyncset.done $0x0  }
0x67: {  	[sflag:s17] =	ssyncadd.s32 $0xFFFFC000  }
0x68: {  	[hbm4b:s25+s2] =	stream.linear.scatter [tilespmem:s11], [sflag:$0x8], $0x4000, $0x38;
	[tilespmem:$0x18080] =	vst v63  }
0x69: {  	_ =	swait.ge [sflag:s19], $0x4000  }
0x6a: {  	[sflag:s19] =	ssyncset.done $0x0  }
0x6b: {  	[sflag:s19] =	ssyncadd.s32 $0xFFFFC000  }
0x6c: {  	[hbm4b:s21+s2] =	stream.linear.scatter [tilespmem:s8], [sflag:$0x9], $0x4000, $0x38;
	[tilespmem:$0x18080] =	vst v63  }
0x6d: {  	_ =	swait.ge [sflag:s26], $0x4000  }
0x6e: {  	[sflag:s26] =	ssyncset.done $0x0  }
0x6f: {  	[sflag:s26] =	ssyncadd.s32 $0xFFFFC000  }
0x70: {  	[hbm4b:s20+s2] =	stream.linear.scatter [tilespmem:s7], [sflag:$0xA], $0x4000, $0x38;
	[tilespmem:$0x18080] =	vst v63  }
0x71: {  	_ =	swait.ge [sflag:s24], $0x4000  }
0x72: {  	[sflag:s24] =	ssyncset.done $0x0  }
0x73: {  	[sflag:s24] =	ssyncadd.s32 $0xFFFFC000  }
0x74: {  	[hbm4b:s18+s2] =	stream.linear.scatter [tilespmem:s6], [sflag:$0xB], $0x4000, $0x38;
	[tilespmem:$0x18080] =	vst v63  }
0x75: {  	_ =	swait.ge [sflag:s23], $0x4000  }
0x76: {  	[sflag:s23] =	ssyncset.done $0x0  }
0x77: {  	[sflag:s23] =	ssyncadd.s32 $0xFFFFC000  }
0x78: {  	[hbm4b:s15+s2] =	stream.linear.scatter [tilespmem:s4], [sflag:$0xC], $0x4000, $0x38;
	[tilespmem:$0x18080] =	vst v63  }
0x79: {  	_ =	swait.ge [sflag:s3], $0x4000  }
0x7a: {  	[sflag:s3] =	ssyncset.done $0x0  }
0x7b: {  	[sflag:s3] =	ssyncadd.s32 $0xFFFFC000  }
0x7c: {  	_ =	swait.ge [sflag:s5], $0x4000  }
0x7d: {  	[sflag:s5] =	ssyncset.done $0x0  }
0x7e: {  	[sflag:s5] =	ssyncadd.s32 $0xFFFFC000  }
0x7f: {  	_ =	swait.ge [sflag:s9], $0x4000  }
0x80: {  	[sflag:s9] =	ssyncset.done $0x0  }
0x81: {  	[sflag:s9] =	ssyncadd.s32 $0xFFFFC000  }
0x82: {  	_ =	swait.ge [sflag:s13], $0x4000  }
0x83: {  	[sflag:s13] =	ssyncset.done $0x0  }
0x84: {  	p1 =	sne.s32 s22, $0x1;
	[sflag:s13] =	ssyncadd.s32 $0xFFFFC000  }
.Ltmp1:
0x85: {  	_ =	swait.ge [sflag:s12], $0x4000;
	(pc) =	sbr.rel @!p1 .LBB2_3-.Ltmp1, $4  }
0x86: {  	[sflag:s12] =	ssyncset.done $0x0  }
0x87: {  	[sflag:s12] =	ssyncadd.s32 $0xFFFFC000  }
0x88: {  	p0 =	por $0x1, $0x1;
	_ =	swait.ge [sflag:s10], $0x4000  }
0x89: {  	s1 =	sadd.s32 $0xFFFFFFFF, s22;
	s0 =	rddreg [dreg:$0x4];
	[sflag:s10] =	ssyncset.done $0x0  }
.LBB2_4:
0x8a: {  	[sflag:s10] =	ssyncadd.s32 $0xFFFFC000  }
0x8b: {  	[tilespmem:s2], [sflag:$0xD] =	stream.linear.gather [hbm4b:s0+s2], $0x80, $0x38;
	[tilespmem:$0x18080] =	vst v63  }
0x8c: {  	_ =	swait.ge [sflag:s31], $0x80  }
0x8d: {  	[sflag:s31] =	ssyncset.done $0x0  }
0x8e: {  	[sflag:s31] =	ssyncadd.s32 $0xFFFFFF80  }
0x8f: {  	s22 =	rddreg [dreg:$0x0]  }
0x90: {  	[tilespmem:s14], [sflag:$0x1] =	stream.indirect.gather [hbm4b:s22+s14], $0x80, s2, s14, $0xb8;
	[tilespmem:$0x18080] =	vst v63  }
0x91: {  	s0 =	rddreg [dreg:$0x5]  }
0x92: {  	[tilespmem:s11], [sflag:$0x2] =	stream.indirect.gather [hbm4b:s0+s14], $0x80, s2, s14, $0xb8;
	[tilespmem:$0x18080] =	vst v63  }
0x93: {  	s22 =	rddreg [dreg:$0x6]  }
0x94: {  	[tilespmem:s8], [sflag:$0x3] =	stream.indirect.gather [hbm4b:s22+s14], $0x80, s2, s14, $0xb8;
	[tilespmem:$0x18080] =	vst v63  }
0x95: {  	s0 =	rddreg [dreg:$0x7]  }
0x96: {  	[tilespmem:s7], [sflag:$0x4] =	stream.indirect.gather [hbm4b:s0+s14], $0x80, s2, s14, $0xb8;
	[tilespmem:$0x18080] =	vst v63  }
0x97: {  	s22 =	rddreg [dreg:$0x8]  }
0x98: {  	[tilespmem:s6], [sflag:$0x5] =	stream.indirect.gather [hbm4b:s22+s14], $0x80, s2, s14, $0xb8;
	[tilespmem:$0x18080] =	vst v63  }
0x99: {  	s0 =	rddreg [dreg:$0x9]  }
0x9a: {  	[tilespmem:s4], [sflag:$0x6] =	stream.indirect.gather [hbm4b:s0+s14], $0x80, s2, s14, $0xb8;
	[tilespmem:$0x18080] =	vst v63  }
0x9b: {  	_ =	swait.ge [sflag:s16], $0x4000  }
0x9c: {  	[sflag:s16] =	ssyncset.done $0x0  }
0x9d: {  	s22 =	rddreg [dreg:$0xa];
	[sflag:s16] =	ssyncadd.s32 $0xFFFFC000  }
0x9e: {  	[hbm4b:s22+s2] =	stream.linear.scatter [tilespmem:s14], [sflag:$0x7], $0x4000, $0x38;
	[tilespmem:$0x18080] =	vst v63  }
0x9f: {  	_ =	swait.ge [sflag:s3], $0x4000  }
0xa0: {  	[sflag:s3] =	ssyncset.done $0x0  }
0xa1: {  	s22 =	rddreg [dreg:$0xb];
	[sflag:s3] =	ssyncadd.s32 $0xFFFFC000  }
0xa2: {  	[tilespmem:s14], [sflag:$0x1] =	stream.indirect.gather [hbm4b:s22+s14], $0x80, s2, s14, $0xb8;
	[tilespmem:$0x18080] =	vst v63  }
0xa3: {  	_ =	swait.ge [sflag:s17], $0x4000  }
0xa4: {  	[sflag:s17] =	ssyncset.done $0x0  }
0xa5: {  	s22 =	rddreg [dreg:$0x11];
	[sflag:s17] =	ssyncadd.s32 $0xFFFFC000  }
0xa6: {  	[hbm4b:s22+s2] =	stream.linear.scatter [tilespmem:s11], [sflag:$0x8], $0x4000, $0x38;
	[tilespmem:$0x18080] =	vst v63  }
0xa7: {  	_ =	swait.ge [sflag:s5], $0x4000  }
0xa8: {  	[sflag:s5] =	ssyncset.done $0x0  }
0xa9: {  	s22 =	rddreg [dreg:$0xc];
	[sflag:s5] =	ssyncadd.s32 $0xFFFFC000  }
0xaa: {  	[tilespmem:s11], [sflag:$0x2] =	stream.indirect.gather [hbm4b:s22+s14], $0x80, s2, s14, $0xb8;
	[tilespmem:$0x18080] =	vst v63  }
0xab: {  	_ =	swait.ge [sflag:s19], $0x4000  }
0xac: {  	[sflag:s19] =	ssyncset.done $0x0  }
0xad: {  	s22 =	rddreg [dreg:$0x12];
	[sflag:s19] =	ssyncadd.s32 $0xFFFFC000  }
0xae: {  	[hbm4b:s22+s2] =	stream.linear.scatter [tilespmem:s8], [sflag:$0x9], $0x4000, $0x38;
	[tilespmem:$0x18080] =	vst v63  }
0xaf: {  	_ =	swait.ge [sflag:s9], $0x4000  }
0xb0: {  	[sflag:s9] =	ssyncset.done $0x0  }
0xb1: {  	s22 =	rddreg [dreg:$0xd];
	[sflag:s9] =	ssyncadd.s32 $0xFFFFC000  }
0xb2: {  	[tilespmem:s8], [sflag:$0x3] =	stream.indirect.gather [hbm4b:s22+s14], $0x80, s2, s14, $0xb8;
	[tilespmem:$0x18080] =	vst v63  }
0xb3: {  	_ =	swait.ge [sflag:s26], $0x4000  }
0xb4: {  	[sflag:s26] =	ssyncset.done $0x0  }
0xb5: {  	s22 =	rddreg [dreg:$0x13];
	[sflag:s26] =	ssyncadd.s32 $0xFFFFC000  }
0xb6: {  	[hbm4b:s22+s2] =	stream.linear.scatter [tilespmem:s7], [sflag:$0xA], $0x4000, $0x38;
	[tilespmem:$0x18080] =	vst v63  }
0xb7: {  	_ =	swait.ge [sflag:s13], $0x4000  }
0xb8: {  	[sflag:s13] =	ssyncset.done $0x0  }
0xb9: {  	s22 =	rddreg [dreg:$0xe];
	[sflag:s13] =	ssyncadd.s32 $0xFFFFC000  }
0xba: {  	[tilespmem:s7], [sflag:$0x4] =	stream.indirect.gather [hbm4b:s22+s14], $0x80, s2, s14, $0xb8;
	[tilespmem:$0x18080] =	vst v63  }
0xbb: {  	_ =	swait.ge [sflag:s24], $0x4000  }
0xbc: {  	[sflag:s24] =	ssyncset.done $0x0  }
0xbd: {  	[sflag:s24] =	ssyncadd.s32 $0xFFFFC000  }
0xbe: {  	[hbm4b:s30+s2] =	stream.linear.scatter [tilespmem:s6], [sflag:$0xB], $0x4000, $0x38;
	[tilespmem:$0x18080] =	vst v63  }
0xbf: {  	_ =	swait.ge [sflag:s12], $0x4000  }
0xc0: {  	[sflag:s12] =	ssyncset.done $0x0  }
0xc1: {  	s22 =	rddreg [dreg:$0xf];
	[sflag:s12] =	ssyncadd.s32 $0xFFFFC000  }
0xc2: {  	[tilespmem:s6], [sflag:$0x5] =	stream.indirect.gather [hbm4b:s22+s14], $0x80, s2, s14, $0xb8;
	[tilespmem:$0x18080] =	vst v63  }
0xc3: {  	_ =	swait.ge [sflag:s23], $0x4000  }
0xc4: {  	[sflag:s23] =	ssyncset.done $0x0  }
0xc5: {  	[sflag:s23] =	ssyncadd.s32 $0xFFFFC000  }
0xc6: {  	[hbm4b:s29+s2] =	stream.linear.scatter [tilespmem:s4], [sflag:$0xC], $0x4000, $0x38;
	[tilespmem:$0x18080] =	vst v63  }
0xc7: {  	_ =	swait.ge [sflag:s10], $0x4000  }
0xc8: {  	[sflag:s10] =	ssyncset.done $0x0  }
0xc9: {  	s22 =	rddreg [dreg:$0x10];
	[sflag:s10] =	ssyncadd.s32 $0xFFFFC000  }
0xca: {  	[tilespmem:s4], [sflag:$0x6] =	stream.indirect.gather [hbm4b:s22+s14], $0x80, s2, s14, $0xb8;
	[tilespmem:$0x18080] =	vst v63  }
0xcb: {  	_ =	swait.ge [sflag:s16], $0x4000  }
0xcc: {  	[sflag:s16] =	ssyncset.done $0x0  }
0xcd: {  	[sflag:s16] =	ssyncadd.s32 $0xFFFFC000  }
0xce: {  	[hbm4b:s28+s2] =	stream.linear.scatter [tilespmem:s14], [sflag:$0x7], $0x4000, $0x38;
	[tilespmem:$0x18080] =	vst v63  }
0xcf: {  	_ =	swait.ge [sflag:s17], $0x4000  }
0xd0: {  	[sflag:s17] =	ssyncset.done $0x0  }
0xd1: {  	[sflag:s17] =	ssyncadd.s32 $0xFFFFC000  }
0xd2: {  	[hbm4b:s25+s2] =	stream.linear.scatter [tilespmem:s11], [sflag:$0x8], $0x4000, $0x38;
	[tilespmem:$0x18080] =	vst v63  }
0xd3: {  	_ =	swait.ge [sflag:s19], $0x4000  }
0xd4: {  	[sflag:s19] =	ssyncset.done $0x0  }
0xd5: {  	[sflag:s19] =	ssyncadd.s32 $0xFFFFC000  }
0xd6: {  	[hbm4b:s21+s2] =	stream.linear.scatter [tilespmem:s8], [sflag:$0x9], $0x4000, $0x38;
	[tilespmem:$0x18080] =	vst v63  }
0xd7: {  	_ =	swait.ge [sflag:s26], $0x4000  }
0xd8: {  	[sflag:s26] =	ssyncset.done $0x0  }
0xd9: {  	[sflag:s26] =	ssyncadd.s32 $0xFFFFC000  }
0xda: {  	[hbm4b:s20+s2] =	stream.linear.scatter [tilespmem:s7], [sflag:$0xA], $0x4000, $0x38;
	[tilespmem:$0x18080] =	vst v63  }
0xdb: {  	_ =	swait.ge [sflag:s24], $0x4000  }
0xdc: {  	[sflag:s24] =	ssyncset.done $0x0  }
0xdd: {  	[sflag:s24] =	ssyncadd.s32 $0xFFFFC000  }
0xde: {  	[hbm4b:s18+s2] =	stream.linear.scatter [tilespmem:s6], [sflag:$0xB], $0x4000, $0x38;
	[tilespmem:$0x18080] =	vst v63  }
0xdf: {  	_ =	swait.ge [sflag:s23], $0x4000  }
0xe0: {  	[sflag:s23] =	ssyncset.done $0x0  }
0xe1: {  	[sflag:s23] =	ssyncadd.s32 $0xFFFFC000  }
0xe2: {  	[hbm4b:s15+s2] =	stream.linear.scatter [tilespmem:s4], [sflag:$0xC], $0x4000, $0x38;
	[tilespmem:$0x18080] =	vst v63  }
0xe3: {  	_ =	swait.ge [sflag:s3], $0x4000  }
0xe4: {  	[sflag:s3] =	ssyncset.done $0x0  }
0xe5: {  	[sflag:s3] =	ssyncadd.s32 $0xFFFFC000  }
0xe6: {  	_ =	swait.ge [sflag:s5], $0x4000  }
0xe7: {  	[sflag:s5] =	ssyncset.done $0x0  }
0xe8: {  	[sflag:s5] =	ssyncadd.s32 $0xFFFFC000  }
0xe9: {  	_ =	swait.ge [sflag:s9], $0x4000  }
0xea: {  	[sflag:s9] =	ssyncset.done $0x0  }
0xeb: {  	[sflag:s9] =	ssyncadd.s32 $0xFFFFC000  }
0xec: {  	_ =	swait.ge [sflag:s13], $0x4000  }
0xed: {  	[sflag:s13] =	ssyncset.done $0x0  }
0xee: {  	p1 =	sne.s32 s1, $0x1;
	[sflag:s13] =	ssyncadd.s32 $0xFFFFC000  }
.Ltmp2:
0xef: {  	_ =	swait.ge [sflag:s12], $0x4000;
	(pc) =	sbr.rel @p1 .LBB2_4-.Ltmp2, $4  }
0xf0: {  	[sflag:s12] =	ssyncset.done $0x0  }
0xf1: {  	[sflag:s12] =	ssyncadd.s32 $0xFFFFC000  }
0xf2: {  	_ =	swait.ge [sflag:s10], $0x4000  }
0xf3: {  	s1 =	sadd.s32 $0xFFFFFFFF, s1;
	s0 =	rddreg [dreg:$0x4];
	[sflag:s10] =	ssyncset.done $0x0  }
0xf4: {  	s1 =	rddreg [dreg:$0x0];
	s22 =	stileid.u32  }
.LBB2_6:
0xf5: {  	[sflag:s10] =	ssyncadd.s32 @p0 $0xFFFFC000  }
0xf6: {  	[tilespmem:s2], [sflag:$0xD] =	stream.linear.gather [hbm4b:s0+s2], $0x80, $0x38;
	[tilespmem:$0x18080] =	vst v63  }
0xf7: {  	_ =	swait.ge [sflag:s31], $0x80  }
0xf8: {  	[sflag:s31] =	ssyncset.done $0x0  }
0xf9: {  	[sflag:s31] =	ssyncadd.s32 $0xFFFFFF80  }
0xfa: {  	[tilespmem:s14], [sflag:$0x1] =	stream.indirect.gather [hbm4b:s1+s14], $0x80, s2, s14, $0xb8;
	[tilespmem:$0x18080] =	vst v63  }
0xfb: {  	s31 =	rddreg [dreg:$0x5]  }
0xfc: {  	[tilespmem:s11], [sflag:$0x2] =	stream.indirect.gather [hbm4b:s31+s14], $0x80, s2, s14, $0xb8;
	[tilespmem:$0x18080] =	vst v63  }
0xfd: {  	s1 =	rddreg [dreg:$0x6]  }
0xfe: {  	[tilespmem:s8], [sflag:$0x3] =	stream.indirect.gather [hbm4b:s1+s14], $0x80, s2, s14, $0xb8;
	[tilespmem:$0x18080] =	vst v63  }
0xff: {  	s31 =	rddreg [dreg:$0x7]  }
0x100: {  	[tilespmem:s7], [sflag:$0x4] =	stream.indirect.gather [hbm4b:s31+s14], $0x80, s2, s14, $0xb8;
	[tilespmem:$0x18080] =	vst v63  }
0x101: {  	s1 =	rddreg [dreg:$0x8]  }
0x102: {  	[tilespmem:s6], [sflag:$0x5] =	stream.indirect.gather [hbm4b:s1+s14], $0x80, s2, s14, $0xb8;
	[tilespmem:$0x18080] =	vst v63  }
0x103: {  	s31 =	rddreg [dreg:$0x9]  }
0x104: {  	[tilespmem:s4], [sflag:$0x6] =	stream.indirect.gather [hbm4b:s31+s14], $0x80, s2, s14, $0xb8;
	[tilespmem:$0x18080] =	vst v63  }
0x105: {  	_ =	swait.ge [sflag:s16], $0x4000  }
0x106: {  	[sflag:s16] =	ssyncset.done $0x0  }
0x107: {  	s31 =	rddreg [dreg:$0xa];
	[sflag:s16] =	ssyncadd.s32 $0xFFFFC000  }
0x108: {  	[hbm4b:s31+s2] =	stream.linear.scatter [tilespmem:s14], [sflag:$0x7], $0x4000, $0x38;
	[tilespmem:$0x18080] =	vst v63  }
0x109: {  	_ =	swait.ge [sflag:s3], $0x4000  }
0x10a: {  	[sflag:s3] =	ssyncset.done $0x0  }
0x10b: {  	s1 =	rddreg [dreg:$0xb];
	[sflag:s3] =	ssyncadd.s32 $0xFFFFC000  }
0x10c: {  	[tilespmem:s14], [sflag:$0x1] =	stream.indirect.gather [hbm4b:s1+s14], $0x80, s2, s14, $0xb8;
	[tilespmem:$0x18080] =	vst v63  }
0x10d: {  	_ =	swait.ge [sflag:s17], $0x4000  }
0x10e: {  	[sflag:s17] =	ssyncset.done $0x0  }
0x10f: {  	s31 =	rddreg [dreg:$0x11];
	[sflag:s17] =	ssyncadd.s32 $0xFFFFC000  }
0x110: {  	[hbm4b:s31+s2] =	stream.linear.scatter [tilespmem:s11], [sflag:$0x8], $0x4000, $0x38;
	[tilespmem:$0x18080] =	vst v63  }
0x111: {  	_ =	swait.ge [sflag:s5], $0x4000  }
0x112: {  	[sflag:s5] =	ssyncset.done $0x0  }
0x113: {  	s1 =	rddreg [dreg:$0xc];
	[sflag:s5] =	ssyncadd.s32 $0xFFFFC000  }
0x114: {  	[tilespmem:s11], [sflag:$0x2] =	stream.indirect.gather [hbm4b:s1+s14], $0x80, s2, s14, $0xb8;
	[tilespmem:$0x18080] =	vst v63  }
0x115: {  	_ =	swait.ge [sflag:s19], $0x4000  }
0x116: {  	[sflag:s19] =	ssyncset.done $0x0  }
0x117: {  	s31 =	rddreg [dreg:$0x12];
	[sflag:s19] =	ssyncadd.s32 $0xFFFFC000  }
0x118: {  	[hbm4b:s31+s2] =	stream.linear.scatter [tilespmem:s8], [sflag:$0x9], $0x4000, $0x38;
	[tilespmem:$0x18080] =	vst v63  }
0x119: {  	_ =	swait.ge [sflag:s9], $0x4000  }
0x11a: {  	[sflag:s9] =	ssyncset.done $0x0  }
0x11b: {  	s1 =	rddreg [dreg:$0xd];
	[sflag:s9] =	ssyncadd.s32 $0xFFFFC000  }
0x11c: {  	[tilespmem:s8], [sflag:$0x3] =	stream.indirect.gather [hbm4b:s1+s14], $0x80, s2, s14, $0xb8;
	[tilespmem:$0x18080] =	vst v63  }
0x11d: {  	_ =	swait.ge [sflag:s26], $0x4000  }
0x11e: {  	[sflag:s26] =	ssyncset.done $0x0  }
0x11f: {  	s31 =	rddreg [dreg:$0x13];
	[sflag:s26] =	ssyncadd.s32 $0xFFFFC000  }
0x120: {  	[hbm4b:s31+s2] =	stream.linear.scatter [tilespmem:s7], [sflag:$0xA], $0x4000, $0x38;
	[tilespmem:$0x18080] =	vst v63  }
0x121: {  	_ =	swait.ge [sflag:s13], $0x4000  }
0x122: {  	[sflag:s13] =	ssyncset.done $0x0  }
0x123: {  	s1 =	rddreg [dreg:$0xe];
	[sflag:s13] =	ssyncadd.s32 $0xFFFFC000  }
0x124: {  	[tilespmem:s7], [sflag:$0x4] =	stream.indirect.gather [hbm4b:s1+s14], $0x80, s2, s14, $0xb8;
	[tilespmem:$0x18080] =	vst v63  }
0x125: {  	_ =	swait.ge [sflag:s24], $0x4000  }
0x126: {  	[sflag:s24] =	ssyncset.done $0x0  }
0x127: {  	[sflag:s24] =	ssyncadd.s32 $0xFFFFC000  }
0x128: {  	[hbm4b:s30+s2] =	stream.linear.scatter [tilespmem:s6], [sflag:$0xB], $0x4000, $0x38;
	[tilespmem:$0x18080] =	vst v63  }
0x129: {  	_ =	swait.ge [sflag:s12], $0x4000  }
0x12a: {  	[sflag:s12] =	ssyncset.done $0x0  }
0x12b: {  	s30 =	rddreg [dreg:$0xf];
	[sflag:s12] =	ssyncadd.s32 $0xFFFFC000  }
0x12c: {  	[tilespmem:s6], [sflag:$0x5] =	stream.indirect.gather [hbm4b:s30+s14], $0x80, s2, s14, $0xb8;
	[tilespmem:$0x18080] =	vst v63  }
0x12d: {  	_ =	swait.ge [sflag:s23], $0x4000  }
0x12e: {  	[sflag:s23] =	ssyncset.done $0x0  }
0x12f: {  	[sflag:s23] =	ssyncadd.s32 $0xFFFFC000  }
0x130: {  	[hbm4b:s29+s2] =	stream.linear.scatter [tilespmem:s4], [sflag:$0xC], $0x4000, $0x38;
	[tilespmem:$0x18080] =	vst v63  }
0x131: {  	_ =	swait.ge [sflag:s10], $0x4000  }
0x132: {  	[sflag:s10] =	ssyncset.done $0x0  }
0x133: {  	s31 =	rddreg [dreg:$0x10];
	[sflag:s10] =	ssyncadd.s32 $0xFFFFC000  }
0x134: {  	[tilespmem:s4], [sflag:$0x6] =	stream.indirect.gather [hbm4b:s31+s14], $0x80, s2, s14, $0xb8;
	[tilespmem:$0x18080] =	vst v63  }
0x135: {  	_ =	swait.ge [sflag:s16], $0x4000  }
0x136: {  	[sflag:s16] =	ssyncset.done $0x0  }
0x137: {  	[sflag:s16] =	ssyncadd.s32 $0xFFFFC000  }
0x138: {  	[hbm4b:s28+s2] =	stream.linear.scatter [tilespmem:s14], [sflag:$0x7], $0x4000, $0x38;
	[tilespmem:$0x18080] =	vst v63  }
0x139: {  	_ =	swait.ge [sflag:s17], $0x4000  }
0x13a: {  	[sflag:s17] =	ssyncset.done $0x0  }
0x13b: {  	[sflag:s17] =	ssyncadd.s32 $0xFFFFC000  }
0x13c: {  	[hbm4b:s25+s2] =	stream.linear.scatter [tilespmem:s11], [sflag:$0x8], $0x4000, $0x38;
	[tilespmem:$0x18080] =	vst v63  }
0x13d: {  	_ =	swait.ge [sflag:s19], $0x4000  }
0x13e: {  	[sflag:s19] =	ssyncset.done $0x0  }
0x13f: {  	[sflag:s19] =	ssyncadd.s32 $0xFFFFC000  }
0x140: {  	[hbm4b:s21+s2] =	stream.linear.scatter [tilespmem:s8], [sflag:$0x9], $0x4000, $0x38;
	[tilespmem:$0x18080] =	vst v63  }
0x141: {  	_ =	swait.ge [sflag:s26], $0x4000  }
0x142: {  	[sflag:s26] =	ssyncset.done $0x0  }
0x143: {  	[sflag:s26] =	ssyncadd.s32 $0xFFFFC000  }
0x144: {  	[hbm4b:s20+s2] =	stream.linear.scatter [tilespmem:s7], [sflag:$0xA], $0x4000, $0x38;
	[tilespmem:$0x18080] =	vst v63  }
0x145: {  	_ =	swait.ge [sflag:s24], $0x4000  }
0x146: {  	[sflag:s24] =	ssyncset.done $0x0  }
0x147: {  	[sflag:s24] =	ssyncadd.s32 $0xFFFFC000  }
0x148: {  	[hbm4b:s18+s2] =	stream.linear.scatter [tilespmem:s6], [sflag:$0xB], $0x4000, $0x38;
	[tilespmem:$0x18080] =	vst v63  }
0x149: {  	_ =	swait.ge [sflag:s23], $0x4000  }
0x14a: {  	[sflag:s23] =	ssyncset.done $0x0  }
0x14b: {  	[sflag:s23] =	ssyncadd.s32 $0xFFFFC000  }
0x14c: {  	[hbm4b:s15+s2] =	stream.linear.scatter [tilespmem:s4], [sflag:$0xC], $0x4000, $0x38;
	[tilespmem:$0x18080] =	vst v63  }
0x14d: {  	_ =	swait.ge [sflag:s3], $0x4000  }
0x14e: {  	[sflag:s3] =	ssyncset.done $0x0  }
0x14f: {  	[sflag:s3] =	ssyncadd.s32 $0xFFFFC000  }
0x150: {  	_ =	swait.ge [sflag:s5], $0x4000  }
0x151: {  	[sflag:s5] =	ssyncset.done $0x0  }
0x152: {  	[sflag:s5] =	ssyncadd.s32 $0xFFFFC000  }
0x153: {  	_ =	swait.ge [sflag:s9], $0x4000  }
0x154: {  	[sflag:s9] =	ssyncset.done $0x0  }
0x155: {  	[sflag:s9] =	ssyncadd.s32 $0xFFFFC000  }
0x156: {  	_ =	swait.ge [sflag:s13], $0x4000  }
0x157: {  	[sflag:s13] =	ssyncset.done $0x0  }
0x158: {  	[sflag:s13] =	ssyncadd.s32 $0xFFFFC000  }
0x159: {  	_ =	swait.ge [sflag:s12], $0x4000  }
0x15a: {  	[sflag:s12] =	ssyncset.done $0x0  }
0x15b: {  	[sflag:s12] =	ssyncadd.s32 $0xFFFFC000  }
0x15c: {  	_ =	swait.ge [sflag:s10], $0x4000  }
0x15d: {  	[sflag:s10] =	ssyncset.done $0x0  }
0x15e: {  	[sflag:s10] =	ssyncadd.s32 $0xFFFFC000  }
0x15f: {  	_ =	sfence.sel $0x180000  }
0x160: {  	[bflag:$0x0] =	sbarrier.arrive $0xFFFF  }
0x161: {  	_ =	strace $0x90000047  }
0x162: {  	[bflag:$0x2] =	sbarrier.arrive $0xFFFF  }
0x163: {  	p0 =	sne.s32 s22, $0x0;
	s0 =	rddreg [dreg:$0x3]  }
0x164: {  	s0 =	sadd.s32 @!p0 $0x100000, s0  }
0x165: {  	[sflag:s0] =	ssyncadd.tile.s32 @!p0 $0x1;
	_ =	shalt  }
.LBB2_1:
.Ltmp3:
0x166: {  	(pc) =	sbr.rel .LBB2_6-.Ltmp3, $2  }
0x167: {  	_ =	sdelay $0x2  }
0x168: {  	s1 =	rddreg [dreg:$0x0]  }
.LBB2_3:
.Ltmp4:
0x169: {  	(pc) =	sbr.rel .LBB2_6-.Ltmp4, $2  }
0x16a: {  	_ =	sdelay $0x2  }
0x16b: {  	s1 =	rddreg [dreg:$0x0];
	s22 =	stileid.u32  }
.Lfunc_end2:
_tile_overlayer_lowered:
.L_overlay_start_2:
0x16c: {  	(tag) =	ssettag $0x2  }
0x16d: {  	s0 =	rddreg [dreg:$0x0];
	s2 =	stileid.u32  }
0x16e: {  	s1 =	rddreg [dreg:$0x1];
	p0 =	sne.s32 s2, $0x0  }
0x16f: {  	s3 =	rddreg [dreg:$0x2];
	[bflag:$0x3] =	sbarrier.arrive $0xFFFF;
	s2 =	simm.s32 @!p0 $0x1C0D  }
0x170: {  	[timem:s3], [sflag:s2] =	dma.local @!p0 [hbm:s0], s1  }
0x171: {  	s0 =	simm.s32 @!p0 $0xD  }
0x172: {  	_ =	swait.ge @!p0 [sflag:s0], s1  }
0x173: {  	s1 =	ssub.s32 @!p0 $0x0, s1;
	[sflag:s0] =	ssyncset.done @!p0 $0x0  }
0x174: {  	[sflag:s0] =	ssyncadd.s32 @!p0 s1  }
0x175: {  	[bflag:$0x3] =	sbarrier.arrive $0xFFFF  }
0x176: {  	_ =	shalt  }

</sc_bundles>
